<compile_context>
chip_gen: v7x
topology: tpu7x:2x2x1
jax: 0.10.2.dev20260603
libtpu: 0.0.44.dev20260713+nightly
codegen_flags: <defaults>
</compile_context>

<pallas_src>
import jax
import jax.numpy as jnp
from jax import lax
from jax.experimental import pallas as pl
from jax.experimental.pallas import tpu as pltpu
from jax.experimental.pallas import tpu_sc as plsc

_B = 16384
_D = 64
_N = 100000
_NC = 2
_NS = 16
_NW = _NC * _NS
_LANES = 16
_HALF = _B // 2
_UNROLL = 8


def _sc_body(tensor_t_hbm, targets_hbm, centers_t_hbm, out_hbm,
             plane_v, trow_v, idx_v, acc_v, psem, tsem, isem):
  wid = lax.axis_index("s") * _NC + lax.axis_index("c")

  acc = jnp.zeros((_LANES,), jnp.float32)
  for p in range(2):
    j = wid + _NW * p
    d_plane = pltpu.async_copy(centers_t_hbm.at[j], plane_v, psem)
    d_trow = pltpu.async_copy(tensor_t_hbm.at[j], trow_v, tsem)
    d_idx = pltpu.async_copy(targets_hbm.at[pl.ds(0, _HALF)], idx_v, isem)
    d_plane.wait()
    d_trow.wait()

    for h in range(2):
      d_idx.wait()

      def step(o, a):
        for u in range(_UNROLL):
          base = (o * _UNROLL + u) * _LANES
          g16 = idx_v[pl.ds(base, _LANES)]
          c16 = plsc.load_gather(plane_v, [g16])
          t16 = trow_v[pl.ds(h * _HALF + base, _LANES)]
          d = t16 - c16
          a = a + d * d
        return a

      acc = lax.fori_loop(0, _HALF // (_LANES * _UNROLL), step, acc)
      if h == 0:
        d_idx = pltpu.async_copy(
            targets_hbm.at[pl.ds(_HALF, _HALF)], idx_v, isem)

  acc_v[...] = acc
  pltpu.sync_copy(acc_v, out_hbm.at[wid])


@jax.jit
def kernel(tensor, targets, centers):
  targets = targets.astype(jnp.int32)
  partials = pl.kernel(
      _sc_body,
      out_type=jax.ShapeDtypeStruct((_NW, _LANES), jnp.float32),
      mesh=plsc.VectorSubcoreMesh(core_axis_name="c", subcore_axis_name="s"),
      scratch_types=[
          pltpu.VMEM((_N,), jnp.float32),
          pltpu.VMEM((_B,), jnp.float32),
          pltpu.VMEM((_HALF,), jnp.int32),
          pltpu.VMEM((_LANES,), jnp.float32),
          pltpu.SemaphoreType.DMA,
          pltpu.SemaphoreType.DMA,
          pltpu.SemaphoreType.DMA,
      ],
      compiler_params=pltpu.CompilerParams(needs_layout_passes=False),
  )(tensor.T, targets, centers.T)
  return 0.5 * jnp.sum(partials)

# --- scband reference (transcript-rebuilt; emitter-appended) ---
"""Pipeline reference for scband-center-loss-84748294685139 (READ-ONLY COPY).

The authoritative reference and input builder live on the scoring server;
editing this copy changes nothing except your own understanding.
"""

import jax, jax.numpy as jnp
import numpy as np

B = 16384
D = 64
N_LABELS = 100000

def setup_inputs(seed: int = 0) -> dict:
    key = jax.random.key(seed)
    k1, k2, k3 = jax.random.split(key, 3)
    tensor = jax.random.normal(k1, (B, D), dtype=jnp.float32)
    targets = jax.random.randint(k2, (B,), 0, N_LABELS, dtype=jnp.int64)
    centers_raw = jax.random.normal(k3, (N_LABELS, D), dtype=jnp.float32)
    # F.normalize(torch.randn(n_labels, n_embedding), p=2, dim=1)
    norms = jnp.sqrt(jnp.sum(centers_raw * centers_raw, axis=1, keepdims=True))
    centers = centers_raw / jnp.maximum(norms, 1e-12)
    return {"tensor": tensor, "targets": targets, "centers": centers}

def reference(tensor, targets, centers):
    # target_centers = centers.index_select(0, targets)
    target_centers = jnp.take(centers, targets, axis=0)
    # 0.5 * (tensor - target_centers).pow(2).sum()
    diff = tensor - target_centers
    return 0.5 * jnp.sum(diff * diff)

if __name__ == "__main__":
    import jax
    _d = setup_inputs()
    print(jax.jit(kernel)(*tuple(_d.values())))

</pallas_src>

<mosaic_0001>
#map = affine_map<(d0, d1) -> (0, 0)>
#map1 = affine_map<(d0, d1) -> (0)>
module attributes {stable_mosaic.version = 14 : i64} {
  func.func @_sc_body(%arg0: i32, %arg1: i32, %arg2: memref<64x16384xf32, #tpu.memory_space<hbm>>, %arg3: memref<16384xi32, #tpu.memory_space<hbm>>, %arg4: memref<64x100000xf32, #tpu.memory_space<hbm>>, %arg5: memref<32x16xf32, #tpu.memory_space<hbm>>, %arg6: memref<100000xf32, #tpu.memory_space<vmem>>, %arg7: memref<16384xf32, #tpu.memory_space<vmem>>, %arg8: memref<8192xi32, #tpu.memory_space<vmem>>, %arg9: memref<16xf32, #tpu.memory_space<vmem>>, %arg10: memref<!tpu.dma_semaphore, #tpu.memory_space<semaphore_mem>>, %arg11: memref<!tpu.dma_semaphore, #tpu.memory_space<semaphore_mem>>, %arg12: memref<!tpu.dma_semaphore, #tpu.memory_space<semaphore_mem>>) attributes {dimension_semantics = [#tpu.dimension_semantics<core_parallel>, #tpu.dimension_semantics<subcore_parallel>], iteration_bounds = array<i64: 2, 16>, scalar_prefetch = 0 : i64, scratch_operands = 7 : i64, tpu.core_type = #tpu.core_type<sc_vector_subcore>, window_params = [{transform_indices = #map}, {transform_indices = #map1}, {transform_indices = #map}, {transform_indices = #map}]} {
    %mul3A = arith.constant 2 : i32
    %mul3A_0 = arith.muli %arg1, %mul3A : i32
    %add3A = arith.addi %mul3A_0, %arg0 : i32
    %broadcast_in_dim3A = arith.constant 0.000000e+00 : f32
    %broadcast_in_dim3A_1 = vector.broadcast %broadcast_in_dim3A : f32 to vector<16xf32>
    %add3A_2 = arith.constant 0 : i32
    %add3A_3 = arith.addi %add3A, %add3A_2 : i32
    %dma_start3A = arith.constant 0 : i32
    %dma_start3A_4 = tpu.memref_slice %arg4[%add3A_3, %dma_start3A] : memref<64x100000xf32, #tpu.memory_space<hbm>> -> memref<1x100000xf32, #tpu.memory_space<hbm>>
    %dma_start3A_5 = tpu.memref_squeeze %dma_start3A_4 : memref<1x100000xf32, #tpu.memory_space<hbm>> -> memref<100000xf32, #tpu.memory_space<hbm>>
    %dma_start3A_6 = arith.constant 0 : i32
    %dma_start3A_7 = tpu.memref_slice %arg4[%add3A_3, %dma_start3A_6] : memref<64x100000xf32, #tpu.memory_space<hbm>> -> memref<1x100000xf32, #tpu.memory_space<hbm>>
    %dma_start3A_8 = tpu.memref_squeeze %dma_start3A_7 : memref<1x100000xf32, #tpu.memory_space<hbm>> -> memref<100000xf32, #tpu.memory_space<hbm>>
    tpu.enqueue_dma source(%dma_start3A_8 : memref<100000xf32, #tpu.memory_space<hbm>>) target(%arg6 : memref<100000xf32, #tpu.memory_space<vmem>>) target_semaphore(%arg10 : memref<!tpu.dma_semaphore, #tpu.memory_space<semaphore_mem>>)
    %dma_start3A_9 = arith.constant 0 : i32
    %dma_start3A_10 = tpu.memref_slice %arg2[%add3A_3, %dma_start3A_9] : memref<64x16384xf32, #tpu.memory_space<hbm>> -> memref<1x16384xf32, #tpu.memory_space<hbm>>
    %dma_start3A_11 = tpu.memref_squeeze %dma_start3A_10 : memref<1x16384xf32, #tpu.memory_space<hbm>> -> memref<16384xf32, #tpu.memory_space<hbm>>
    %dma_start3A_12 = arith.constant 0 : i32
    %dma_start3A_13 = tpu.memref_slice %arg2[%add3A_3, %dma_start3A_12] : memref<64x16384xf32, #tpu.memory_space<hbm>> -> memref<1x16384xf32, #tpu.memory_space<hbm>>
    %dma_start3A_14 = tpu.memref_squeeze %dma_start3A_13 : memref<1x16384xf32, #tpu.memory_space<hbm>> -> memref<16384xf32, #tpu.memory_space<hbm>>
    tpu.enqueue_dma source(%dma_start3A_14 : memref<16384xf32, #tpu.memory_space<hbm>>) target(%arg7 : memref<16384xf32, #tpu.memory_space<vmem>>) target_semaphore(%arg11 : memref<!tpu.dma_semaphore, #tpu.memory_space<semaphore_mem>>)
    %dma_start3A_15 = arith.constant 0 : i32
    %dma_start3A_16 = tpu.memref_slice %arg3[%dma_start3A_15] : memref<16384xi32, #tpu.memory_space<hbm>> -> memref<8192xi32, #tpu.memory_space<hbm>>
    %dma_start3A_17 = arith.constant 0 : i32
    %dma_start3A_18 = tpu.memref_slice %arg3[%dma_start3A_17] : memref<16384xi32, #tpu.memory_space<hbm>> -> memref<8192xi32, #tpu.memory_space<hbm>>
    tpu.enqueue_dma source(%dma_start3A_18 : memref<8192xi32, #tpu.memory_space<hbm>>) target(%arg8 : memref<8192xi32, #tpu.memory_space<vmem>>) target_semaphore(%arg12 : memref<!tpu.dma_semaphore, #tpu.memory_space<semaphore_mem>>)
    %dma_wait3A = arith.constant 0 : i32
    %dma_wait3A_19 = tpu.memref_slice %arg4[%add3A_3, %dma_wait3A] : memref<64x100000xf32, #tpu.memory_space<hbm>> -> memref<1x100000xf32, #tpu.memory_space<hbm>>
    %dma_wait3A_20 = tpu.memref_squeeze %dma_wait3A_19 : memref<1x100000xf32, #tpu.memory_space<hbm>> -> memref<100000xf32, #tpu.memory_space<hbm>>
    %dma_wait3A_21 = arith.constant 0 : i32
    %dma_wait3A_22 = tpu.memref_slice %arg4[%add3A_3, %dma_wait3A_21] : memref<64x100000xf32, #tpu.memory_space<hbm>> -> memref<1x100000xf32, #tpu.memory_space<hbm>>
    %dma_wait3A_23 = tpu.memref_squeeze %dma_wait3A_22 : memref<1x100000xf32, #tpu.memory_space<hbm>> -> memref<100000xf32, #tpu.memory_space<hbm>>
    tpu.wait_dma2 semaphore(%arg10 : memref<!tpu.dma_semaphore, #tpu.memory_space<semaphore_mem>>) src(%dma_wait3A_23 : memref<100000xf32, #tpu.memory_space<hbm>>) dst(%arg6 : memref<100000xf32, #tpu.memory_space<vmem>>)
    %dma_wait3A_24 = arith.constant 0 : i32
    %dma_wait3A_25 = tpu.memref_slice %arg2[%add3A_3, %dma_wait3A_24] : memref<64x16384xf32, #tpu.memory_space<hbm>> -> memref<1x16384xf32, #tpu.memory_space<hbm>>
    %dma_wait3A_26 = tpu.memref_squeeze %dma_wait3A_25 : memref<1x16384xf32, #tpu.memory_space<hbm>> -> memref<16384xf32, #tpu.memory_space<hbm>>
    %dma_wait3A_27 = arith.constant 0 : i32
    %dma_wait3A_28 = tpu.memref_slice %arg2[%add3A_3, %dma_wait3A_27] : memref<64x16384xf32, #tpu.memory_space<hbm>> -> memref<1x16384xf32, #tpu.memory_space<hbm>>
    %dma_wait3A_29 = tpu.memref_squeeze %dma_wait3A_28 : memref<1x16384xf32, #tpu.memory_space<hbm>> -> memref<16384xf32, #tpu.memory_space<hbm>>
    tpu.wait_dma2 semaphore(%arg11 : memref<!tpu.dma_semaphore, #tpu.memory_space<semaphore_mem>>) src(%dma_wait3A_29 : memref<16384xf32, #tpu.memory_space<hbm>>) dst(%arg7 : memref<16384xf32, #tpu.memory_space<vmem>>)
    %dma_wait3A_30 = arith.constant 0 : i32
    %dma_wait3A_31 = tpu.memref_slice %arg3[%dma_wait3A_30] : memref<16384xi32, #tpu.memory_space<hbm>> -> memref<8192xi32, #tpu.memory_space<hbm>>
    %dma_wait3A_32 = arith.constant 0 : i32
    %dma_wait3A_33 = tpu.memref_slice %arg3[%dma_wait3A_32] : memref<16384xi32, #tpu.memory_space<hbm>> -> memref<8192xi32, #tpu.memory_space<hbm>>
    tpu.wait_dma2 semaphore(%arg12 : memref<!tpu.dma_semaphore, #tpu.memory_space<semaphore_mem>>) src(%dma_wait3A_33 : memref<8192xi32, #tpu.memory_space<hbm>>) dst(%arg8 : memref<8192xi32, #tpu.memory_space<vmem>>)
    %scan3A = arith.constant 0 : i32
    %scan3A_34 = arith.constant 64 : i32
    %scan3A_35 = arith.addi %scan3A, %scan3A_34 : i32
    %scan3A_36 = arith.constant 1 : i32
    %scan3A_37 = scf.for %scan3A_108 = %scan3A to %scan3A_35 step %scan3A_36 iter_args(%scan3A_109 = %broadcast_in_dim3A_1) -> (vector<16xf32>)  : i32 {
      %mul3A_110 = arith.constant 8 : i32
      %mul3A_111 = arith.muli %scan3A_108, %mul3A_110 : i32
      %add3A_112 = arith.constant 0 : i32
      %add3A_113 = arith.addi %mul3A_111, %add3A_112 : i32
      %mul3A_114 = arith.constant 16 : i32
      %mul3A_115 = arith.muli %add3A_113, %mul3A_114 : i32
      %get3A = arith.index_cast %mul3A_115 : i32 to index
      %get3A_116 = tpu.vector_load %arg8[%get3A] {strides = array<i32>} : memref<8192xi32, #tpu.memory_space<vmem>>, vector<16xi32>,
      %gather3A = tpu.vector_load_idx %arg6[%get3A_116] : memref<100000xf32, #tpu.memory_space<vmem>>[vector<16xi32>], vector<16xf32>,
      %add3A_117 = arith.constant 0 : i32
      %add3A_118 = arith.addi %add3A_117, %mul3A_115 : i32
      %get3A_119 = arith.index_cast %add3A_118 : i32 to index
      %get3A_120 = tpu.vector_load %arg7[%get3A_119] {strides = array<i32>} : memref<16384xf32, #tpu.memory_space<vmem>>, vector<16xf32>,
      %sub3A = arith.subf %get3A_120, %gather3A : vector<16xf32>
      %mul3A_121 = arith.mulf %sub3A, %sub3A : vector<16xf32>
      %add3A_122 = arith.addf %scan3A_109, %mul3A_121 : vector<16xf32>
      %mul3A_123 = arith.constant 8 : i32
      %mul3A_124 = arith.muli %scan3A_108, %mul3A_123 : i32
      %add3A_125 = arith.constant 1 : i32
      %add3A_126 = arith.addi %mul3A_124, %add3A_125 : i32
      %mul3A_127 = arith.constant 16 : i32
      %mul3A_128 = arith.muli %add3A_126, %mul3A_127 : i32
      %get3A_129 = arith.index_cast %mul3A_128 : i32 to index
      %get3A_130 = tpu.vector_load %arg8[%get3A_129] {strides = array<i32>} : memref<8192xi32, #tpu.memory_space<vmem>>, vector<16xi32>,
      %gather3A_131 = tpu.vector_load_idx %arg6[%get3A_130] : memref<100000xf32, #tpu.memory_space<vmem>>[vector<16xi32>], vector<16xf32>,
      %add3A_132 = arith.constant 0 : i32
      %add3A_133 = arith.addi %add3A_132, %mul3A_128 : i32
      %get3A_134 = arith.index_cast %add3A_133 : i32 to index
      %get3A_135 = tpu.vector_load %arg7[%get3A_134] {strides = array<i32>} : memref<16384xf32, #tpu.memory_space<vmem>>, vector<16xf32>,
      %sub3A_136 = arith.subf %get3A_135, %gather3A_131 : vector<16xf32>
      %mul3A_137 = arith.mulf %sub3A_136, %sub3A_136 : vector<16xf32>
      %add3A_138 = arith.addf %add3A_122, %mul3A_137 : vector<16xf32>
      %mul3A_139 = arith.constant 8 : i32
      %mul3A_140 = arith.muli %scan3A_108, %mul3A_139 : i32
      %add3A_141 = arith.constant 2 : i32
      %add3A_142 = arith.addi %mul3A_140, %add3A_141 : i32
      %mul3A_143 = arith.constant 16 : i32
      %mul3A_144 = arith.muli %add3A_142, %mul3A_143 : i32
      %get3A_145 = arith.index_cast %mul3A_144 : i32 to index
      %get3A_146 = tpu.vector_load %arg8[%get3A_145] {strides = array<i32>} : memref<8192xi32, #tpu.memory_space<vmem>>, vector<16xi32>,
      %gather3A_147 = tpu.vector_load_idx %arg6[%get3A_146] : memref<100000xf32, #tpu.memory_space<vmem>>[vector<16xi32>], vector<16xf32>,
      %add3A_148 = arith.constant 0 : i32
      %add3A_149 = arith.addi %add3A_148, %mul3A_144 : i32
      %get3A_150 = arith.index_cast %add3A_149 : i32 to index
      %get3A_151 = tpu.vector_load %arg7[%get3A_150] {strides = array<i32>} : memref<16384xf32, #tpu.memory_space<vmem>>, vector<16xf32>,
      %sub3A_152 = arith.subf %get3A_151, %gather3A_147 : vector<16xf32>
      %mul3A_153 = arith.mulf %sub3A_152, %sub3A_152 : vector<16xf32>
      %add3A_154 = arith.addf %add3A_138, %mul3A_153 : vector<16xf32>
      %mul3A_155 = arith.constant 8 : i32
      %mul3A_156 = arith.muli %scan3A_108, %mul3A_155 : i32
      %add3A_157 = arith.constant 3 : i32
      %add3A_158 = arith.addi %mul3A_156, %add3A_157 : i32
      %mul3A_159 = arith.constant 16 : i32
      %mul3A_160 = arith.muli %add3A_158, %mul3A_159 : i32
      %get3A_161 = arith.index_cast %mul3A_160 : i32 to index
      %get3A_162 = tpu.vector_load %arg8[%get3A_161] {strides = array<i32>} : memref<8192xi32, #tpu.memory_space<vmem>>, vector<16xi32>,
      %gather3A_163 = tpu.vector_load_idx %arg6[%get3A_162] : memref<100000xf32, #tpu.memory_space<vmem>>[vector<16xi32>], vector<16xf32>,
      %add3A_164 = arith.constant 0 : i32
      %add3A_165 = arith.addi %add3A_164, %mul3A_160 : i32
      %get3A_166 = arith.index_cast %add3A_165 : i32 to index
      %get3A_167 = tpu.vector_load %arg7[%get3A_166] {strides = array<i32>} : memref<16384xf32, #tpu.memory_space<vmem>>, vector<16xf32>,
      %sub3A_168 = arith.subf %get3A_167, %gather3A_163 : vector<16xf32>
      %mul3A_169 = arith.mulf %sub3A_168, %sub3A_168 : vector<16xf32>
      %add3A_170 = arith.addf %add3A_154, %mul3A_169 : vector<16xf32>
      %mul3A_171 = arith.constant 8 : i32
      %mul3A_172 = arith.muli %scan3A_108, %mul3A_171 : i32
      %add3A_173 = arith.constant 4 : i32
      %add3A_174 = arith.addi %mul3A_172, %add3A_173 : i32
      %mul3A_175 = arith.constant 16 : i32
      %mul3A_176 = arith.muli %add3A_174, %mul3A_175 : i32
      %get3A_177 = arith.index_cast %mul3A_176 : i32 to index
      %get3A_178 = tpu.vector_load %arg8[%get3A_177] {strides = array<i32>} : memref<8192xi32, #tpu.memory_space<vmem>>, vector<16xi32>,
      %gather3A_179 = tpu.vector_load_idx %arg6[%get3A_178] : memref<100000xf32, #tpu.memory_space<vmem>>[vector<16xi32>], vector<16xf32>,
      %add3A_180 = arith.constant 0 : i32
      %add3A_181 = arith.addi %add3A_180, %mul3A_176 : i32
      %get3A_182 = arith.index_cast %add3A_181 : i32 to index
      %get3A_183 = tpu.vector_load %arg7[%get3A_182] {strides = array<i32>} : memref<16384xf32, #tpu.memory_space<vmem>>, vector<16xf32>,
      %sub3A_184 = arith.subf %get3A_183, %gather3A_179 : vector<16xf32>
      %mul3A_185 = arith.mulf %sub3A_184, %sub3A_184 : vector<16xf32>
      %add3A_186 = arith.addf %add3A_170, %mul3A_185 : vector<16xf32>
      %mul3A_187 = arith.constant 8 : i32
      %mul3A_188 = arith.muli %scan3A_108, %mul3A_187 : i32
      %add3A_189 = arith.constant 5 : i32
      %add3A_190 = arith.addi %mul3A_188, %add3A_189 : i32
      %mul3A_191 = arith.constant 16 : i32
      %mul3A_192 = arith.muli %add3A_190, %mul3A_191 : i32
      %get3A_193 = arith.index_cast %mul3A_192 : i32 to index
      %get3A_194 = tpu.vector_load %arg8[%get3A_193] {strides = array<i32>} : memref<8192xi32, #tpu.memory_space<vmem>>, vector<16xi32>,
      %gather3A_195 = tpu.vector_load_idx %arg6[%get3A_194] : memref<100000xf32, #tpu.memory_space<vmem>>[vector<16xi32>], vector<16xf32>,
      %add3A_196 = arith.constant 0 : i32
      %add3A_197 = arith.addi %add3A_196, %mul3A_192 : i32
      %get3A_198 = arith.index_cast %add3A_197 : i32 to index
      %get3A_199 = tpu.vector_load %arg7[%get3A_198] {strides = array<i32>} : memref<16384xf32, #tpu.memory_space<vmem>>, vector<16xf32>,
      %sub3A_200 = arith.subf %get3A_199, %gather3A_195 : vector<16xf32>
      %mul3A_201 = arith.mulf %sub3A_200, %sub3A_200 : vector<16xf32>
      %add3A_202 = arith.addf %add3A_186, %mul3A_201 : vector<16xf32>
      %mul3A_203 = arith.constant 8 : i32
      %mul3A_204 = arith.muli %scan3A_108, %mul3A_203 : i32
      %add3A_205 = arith.constant 6 : i32
      %add3A_206 = arith.addi %mul3A_204, %add3A_205 : i32
      %mul3A_207 = arith.constant 16 : i32
      %mul3A_208 = arith.muli %add3A_206, %mul3A_207 : i32
      %get3A_209 = arith.index_cast %mul3A_208 : i32 to index
      %get3A_210 = tpu.vector_load %arg8[%get3A_209] {strides = array<i32>} : memref<8192xi32, #tpu.memory_space<vmem>>, vector<16xi32>,
      %gather3A_211 = tpu.vector_load_idx %arg6[%get3A_210] : memref<100000xf32, #tpu.memory_space<vmem>>[vector<16xi32>], vector<16xf32>,
      %add3A_212 = arith.constant 0 : i32
      %add3A_213 = arith.addi %add3A_212, %mul3A_208 : i32
      %get3A_214 = arith.index_cast %add3A_213 : i32 to index
      %get3A_215 = tpu.vector_load %arg7[%get3A_214] {strides = array<i32>} : memref<16384xf32, #tpu.memory_space<vmem>>, vector<16xf32>,
      %sub3A_216 = arith.subf %get3A_215, %gather3A_211 : vector<16xf32>
      %mul3A_217 = arith.mulf %sub3A_216, %sub3A_216 : vector<16xf32>
      %add3A_218 = arith.addf %add3A_202, %mul3A_217 : vector<16xf32>
      %mul3A_219 = arith.constant 8 : i32
      %mul3A_220 = arith.muli %scan3A_108, %mul3A_219 : i32
      %add3A_221 = arith.constant 7 : i32
      %add3A_222 = arith.addi %mul3A_220, %add3A_221 : i32
      %mul3A_223 = arith.constant 16 : i32
      %mul3A_224 = arith.muli %add3A_222, %mul3A_223 : i32
      %get3A_225 = arith.index_cast %mul3A_224 : i32 to index
      %get3A_226 = tpu.vector_load %arg8[%get3A_225] {strides = array<i32>} : memref<8192xi32, #tpu.memory_space<vmem>>, vector<16xi32>,
      %gather3A_227 = tpu.vector_load_idx %arg6[%get3A_226] : memref<100000xf32, #tpu.memory_space<vmem>>[vector<16xi32>], vector<16xf32>,
      %add3A_228 = arith.constant 0 : i32
      %add3A_229 = arith.addi %add3A_228, %mul3A_224 : i32
      %get3A_230 = arith.index_cast %add3A_229 : i32 to index
      %get3A_231 = tpu.vector_load %arg7[%get3A_230] {strides = array<i32>} : memref<16384xf32, #tpu.memory_space<vmem>>, vector<16xf32>,
      %sub3A_232 = arith.subf %get3A_231, %gather3A_227 : vector<16xf32>
      %mul3A_233 = arith.mulf %sub3A_232, %sub3A_232 : vector<16xf32>
      %add3A_234 = arith.addf %add3A_218, %mul3A_233 : vector<16xf32>
      scf.yield %add3A_234 : vector<16xf32>
    }
    %scan3A_38 = arith.constant 64 : i32
    %dma_start3A_39 = arith.constant 8192 : i32
    %dma_start3A_40 = tpu.memref_slice %arg3[%dma_start3A_39] : memref<16384xi32, #tpu.memory_space<hbm>> -> memref<8192xi32, #tpu.memory_space<hbm>>
    %dma_start3A_41 = arith.constant 8192 : i32
    %dma_start3A_42 = tpu.memref_slice %arg3[%dma_start3A_41] : memref<16384xi32, #tpu.memory_space<hbm>> -> memref<8192xi32, #tpu.memory_space<hbm>>
    tpu.enqueue_dma source(%dma_start3A_42 : memref<8192xi32, #tpu.memory_space<hbm>>) target(%arg8 : memref<8192xi32, #tpu.memory_space<vmem>>) target_semaphore(%arg12 : memref<!tpu.dma_semaphore, #tpu.memory_space<semaphore_mem>>)
    %dma_wait3A_43 = arith.constant 8192 : i32
    %dma_wait3A_44 = tpu.memref_slice %arg3[%dma_wait3A_43] : memref<16384xi32, #tpu.memory_space<hbm>> -> memref<8192xi32, #tpu.memory_space<hbm>>
    %dma_wait3A_45 = arith.constant 8192 : i32
    %dma_wait3A_46 = tpu.memref_slice %arg3[%dma_wait3A_45] : memref<16384xi32, #tpu.memory_space<hbm>> -> memref<8192xi32, #tpu.memory_space<hbm>>
    tpu.wait_dma2 semaphore(%arg12 : memref<!tpu.dma_semaphore, #tpu.memory_space<semaphore_mem>>) src(%dma_wait3A_46 : memref<8192xi32, #tpu.memory_space<hbm>>) dst(%arg8 : memref<8192xi32, #tpu.memory_space<vmem>>)
    %scan3A_47 = arith.constant 0 : i32
    %scan3A_48 = arith.constant 64 : i32
    %scan3A_49 = arith.addi %scan3A_47, %scan3A_48 : i32
    %scan3A_50 = arith.constant 1 : i32
    %scan3A_51 = scf.for %scan3A_108 = %scan3A_47 to %scan3A_49 step %scan3A_50 iter_args(%scan3A_109 = %scan3A_37) -> (vector<16xf32>)  : i32 {
      %mul3A_110 = arith.constant 8 : i32
      %mul3A_111 = arith.muli %scan3A_108, %mul3A_110 : i32
      %add3A_112 = arith.constant 0 : i32
      %add3A_113 = arith.addi %mul3A_111, %add3A_112 : i32
      %mul3A_114 = arith.constant 16 : i32
      %mul3A_115 = arith.muli %add3A_113, %mul3A_114 : i32
      %get3A = arith.index_cast %mul3A_115 : i32 to index
      %get3A_116 = tpu.vector_load %arg8[%get3A] {strides = array<i32>} : memref<8192xi32, #tpu.memory_space<vmem>>, vector<16xi32>,
      %gather3A = tpu.vector_load_idx %arg6[%get3A_116] : memref<100000xf32, #tpu.memory_space<vmem>>[vector<16xi32>], vector<16xf32>,
      %add3A_117 = arith.constant 8192 : i32
      %add3A_118 = arith.addi %add3A_117, %mul3A_115 : i32
      %get3A_119 = arith.index_cast %add3A_118 : i32 to index
      %get3A_120 = tpu.vector_load %arg7[%get3A_119] {strides = array<i32>} : memref<16384xf32, #tpu.memory_space<vmem>>, vector<16xf32>,
      %sub3A = arith.subf %get3A_120, %gather3A : vector<16xf32>
      %mul3A_121 = arith.mulf %sub3A, %sub3A : vector<16xf32>
      %add3A_122 = arith.addf %scan3A_109, %mul3A_121 : vector<16xf32>
      %mul3A_123 = arith.constant 8 : i32
      %mul3A_124 = arith.muli %scan3A_108, %mul3A_123 : i32
      %add3A_125 = arith.constant 1 : i32
      %add3A_126 = arith.addi %mul3A_124, %add3A_125 : i32
      %mul3A_127 = arith.constant 16 : i32
      %mul3A_128 = arith.muli %add3A_126, %mul3A_127 : i32
      %get3A_129 = arith.index_cast %mul3A_128 : i32 to index
      %get3A_130 = tpu.vector_load %arg8[%get3A_129] {strides = array<i32>} : memref<8192xi32, #tpu.memory_space<vmem>>, vector<16xi32>,
      %gather3A_131 = tpu.vector_load_idx %arg6[%get3A_130] : memref<100000xf32, #tpu.memory_space<vmem>>[vector<16xi32>], vector<16xf32>,
      %add3A_132 = arith.constant 8192 : i32
      %add3A_133 = arith.addi %add3A_132, %mul3A_128 : i32
      %get3A_134 = arith.index_cast %add3A_133 : i32 to index
      %get3A_135 = tpu.vector_load %arg7[%get3A_134] {strides = array<i32>} : memref<16384xf32, #tpu.memory_space<vmem>>, vector<16xf32>,
      %sub3A_136 = arith.subf %get3A_135, %gather3A_131 : vector<16xf32>
      %mul3A_137 = arith.mulf %sub3A_136, %sub3A_136 : vector<16xf32>
      %add3A_138 = arith.addf %add3A_122, %mul3A_137 : vector<16xf32>
      %mul3A_139 = arith.constant 8 : i32
      %mul3A_140 = arith.muli %scan3A_108, %mul3A_139 : i32
      %add3A_141 = arith.constant 2 : i32
      %add3A_142 = arith.addi %mul3A_140, %add3A_141 : i32
      %mul3A_143 = arith.constant 16 : i32
      %mul3A_144 = arith.muli %add3A_142, %mul3A_143 : i32
      %get3A_145 = arith.index_cast %mul3A_144 : i32 to index
      %get3A_146 = tpu.vector_load %arg8[%get3A_145] {strides = array<i32>} : memref<8192xi32, #tpu.memory_space<vmem>>, vector<16xi32>,
      %gather3A_147 = tpu.vector_load_idx %arg6[%get3A_146] : memref<100000xf32, #tpu.memory_space<vmem>>[vector<16xi32>], vector<16xf32>,
      %add3A_148 = arith.constant 8192 : i32
      %add3A_149 = arith.addi %add3A_148, %mul3A_144 : i32
      %get3A_150 = arith.index_cast %add3A_149 : i32 to index
      %get3A_151 = tpu.vector_load %arg7[%get3A_150] {strides = array<i32>} : memref<16384xf32, #tpu.memory_space<vmem>>, vector<16xf32>,
      %sub3A_152 = arith.subf %get3A_151, %gather3A_147 : vector<16xf32>
      %mul3A_153 = arith.mulf %sub3A_152, %sub3A_152 : vector<16xf32>
      %add3A_154 = arith.addf %add3A_138, %mul3A_153 : vector<16xf32>
      %mul3A_155 = arith.constant 8 : i32
      %mul3A_156 = arith.muli %scan3A_108, %mul3A_155 : i32
      %add3A_157 = arith.constant 3 : i32
      %add3A_158 = arith.addi %mul3A_156, %add3A_157 : i32
      %mul3A_159 = arith.constant 16 : i32
      %mul3A_160 = arith.muli %add3A_158, %mul3A_159 : i32
      %get3A_161 = arith.index_cast %mul3A_160 : i32 to index
      %get3A_162 = tpu.vector_load %arg8[%get3A_161] {strides = array<i32>} : memref<8192xi32, #tpu.memory_space<vmem>>, vector<16xi32>,
      %gather3A_163 = tpu.vector_load_idx %arg6[%get3A_162] : memref<100000xf32, #tpu.memory_space<vmem>>[vector<16xi32>], vector<16xf32>,
      %add3A_164 = arith.constant 8192 : i32
      %add3A_165 = arith.addi %add3A_164, %mul3A_160 : i32
      %get3A_166 = arith.index_cast %add3A_165 : i32 to index
      %get3A_167 = tpu.vector_load %arg7[%get3A_166] {strides = array<i32>} : memref<16384xf32, #tpu.memory_space<vmem>>, vector<16xf32>,
      %sub3A_168 = arith.subf %get3A_167, %gather3A_163 : vector<16xf32>
      %mul3A_169 = arith.mulf %sub3A_168, %sub3A_168 : vector<16xf32>
      %add3A_170 = arith.addf %add3A_154, %mul3A_169 : vector<16xf32>
      %mul3A_171 = arith.constant 8 : i32
      %mul3A_172 = arith.muli %scan3A_108, %mul3A_171 : i32
      %add3A_173 = arith.constant 4 : i32
      %add3A_174 = arith.addi %mul3A_172, %add3A_173 : i32
      %mul3A_175 = arith.constant 16 : i32
      %mul3A_176 = arith.muli %add3A_174, %mul3A_175 : i32
      %get3A_177 = arith.index_cast %mul3A_176 : i32 to index
      %get3A_178 = tpu.vector_load %arg8[%get3A_177] {strides = array<i32>} : memref<8192xi32, #tpu.memory_space<vmem>>, vector<16xi32>,
      %gather3A_179 = tpu.vector_load_idx %arg6[%get3A_178] : memref<100000xf32, #tpu.memory_space<vmem>>[vector<16xi32>], vector<16xf32>,
      %add3A_180 = arith.constant 8192 : i32
      %add3A_181 = arith.addi %add3A_180, %mul3A_176 : i32
      %get3A_182 = arith.index_cast %add3A_181 : i32 to index
      %get3A_183 = tpu.vector_load %arg7[%get3A_182] {strides = array<i32>} : memref<16384xf32, #tpu.memory_space<vmem>>, vector<16xf32>,
      %sub3A_184 = arith.subf %get3A_183, %gather3A_179 : vector<16xf32>
      %mul3A_185 = arith.mulf %sub3A_184, %sub3A_184 : vector<16xf32>
      %add3A_186 = arith.addf %add3A_170, %mul3A_185 : vector<16xf32>
      %mul3A_187 = arith.constant 8 : i32
      %mul3A_188 = arith.muli %scan3A_108, %mul3A_187 : i32
      %add3A_189 = arith.constant 5 : i32
      %add3A_190 = arith.addi %mul3A_188, %add3A_189 : i32
      %mul3A_191 = arith.constant 16 : i32
      %mul3A_192 = arith.muli %add3A_190, %mul3A_191 : i32
      %get3A_193 = arith.index_cast %mul3A_192 : i32 to index
      %get3A_194 = tpu.vector_load %arg8[%get3A_193] {strides = array<i32>} : memref<8192xi32, #tpu.memory_space<vmem>>, vector<16xi32>,
      %gather3A_195 = tpu.vector_load_idx %arg6[%get3A_194] : memref<100000xf32, #tpu.memory_space<vmem>>[vector<16xi32>], vector<16xf32>,
      %add3A_196 = arith.constant 8192 : i32
      %add3A_197 = arith.addi %add3A_196, %mul3A_192 : i32
      %get3A_198 = arith.index_cast %add3A_197 : i32 to index
      %get3A_199 = tpu.vector_load %arg7[%get3A_198] {strides = array<i32>} : memref<16384xf32, #tpu.memory_space<vmem>>, vector<16xf32>,
      %sub3A_200 = arith.subf %get3A_199, %gather3A_195 : vector<16xf32>
      %mul3A_201 = arith.mulf %sub3A_200, %sub3A_200 : vector<16xf32>
      %add3A_202 = arith.addf %add3A_186, %mul3A_201 : vector<16xf32>
      %mul3A_203 = arith.constant 8 : i32
      %mul3A_204 = arith.muli %scan3A_108, %mul3A_203 : i32
      %add3A_205 = arith.constant 6 : i32
      %add3A_206 = arith.addi %mul3A_204, %add3A_205 : i32
      %mul3A_207 = arith.constant 16 : i32
      %mul3A_208 = arith.muli %add3A_206, %mul3A_207 : i32
      %get3A_209 = arith.index_cast %mul3A_208 : i32 to index
      %get3A_210 = tpu.vector_load %arg8[%get3A_209] {strides = array<i32>} : memref<8192xi32, #tpu.memory_space<vmem>>, vector<16xi32>,
      %gather3A_211 = tpu.vector_load_idx %arg6[%get3A_210] : memref<100000xf32, #tpu.memory_space<vmem>>[vector<16xi32>], vector<16xf32>,
      %add3A_212 = arith.constant 8192 : i32
      %add3A_213 = arith.addi %add3A_212, %mul3A_208 : i32
      %get3A_214 = arith.index_cast %add3A_213 : i32 to index
      %get3A_215 = tpu.vector_load %arg7[%get3A_214] {strides = array<i32>} : memref<16384xf32, #tpu.memory_space<vmem>>, vector<16xf32>,
      %sub3A_216 = arith.subf %get3A_215, %gather3A_211 : vector<16xf32>
      %mul3A_217 = arith.mulf %sub3A_216, %sub3A_216 : vector<16xf32>
      %add3A_218 = arith.addf %add3A_202, %mul3A_217 : vector<16xf32>
      %mul3A_219 = arith.constant 8 : i32
      %mul3A_220 = arith.muli %scan3A_108, %mul3A_219 : i32
      %add3A_221 = arith.constant 7 : i32
      %add3A_222 = arith.addi %mul3A_220, %add3A_221 : i32
      %mul3A_223 = arith.constant 16 : i32
      %mul3A_224 = arith.muli %add3A_222, %mul3A_223 : i32
      %get3A_225 = arith.index_cast %mul3A_224 : i32 to index
      %get3A_226 = tpu.vector_load %arg8[%get3A_225] {strides = array<i32>} : memref<8192xi32, #tpu.memory_space<vmem>>, vector<16xi32>,
      %gather3A_227 = tpu.vector_load_idx %arg6[%get3A_226] : memref<100000xf32, #tpu.memory_space<vmem>>[vector<16xi32>], vector<16xf32>,
      %add3A_228 = arith.constant 8192 : i32
      %add3A_229 = arith.addi %add3A_228, %mul3A_224 : i32
      %get3A_230 = arith.index_cast %add3A_229 : i32 to index
      %get3A_231 = tpu.vector_load %arg7[%get3A_230] {strides = array<i32>} : memref<16384xf32, #tpu.memory_space<vmem>>, vector<16xf32>,
      %sub3A_232 = arith.subf %get3A_231, %gather3A_227 : vector<16xf32>
      %mul3A_233 = arith.mulf %sub3A_232, %sub3A_232 : vector<16xf32>
      %add3A_234 = arith.addf %add3A_218, %mul3A_233 : vector<16xf32>
      scf.yield %add3A_234 : vector<16xf32>
    }
    %scan3A_52 = arith.constant 64 : i32
    %add3A_53 = arith.constant 32 : i32
    %add3A_54 = arith.addi %add3A, %add3A_53 : i32
    %dma_start3A_55 = arith.constant 0 : i32
    %dma_start3A_56 = tpu.memref_slice %arg4[%add3A_54, %dma_start3A_55] : memref<64x100000xf32, #tpu.memory_space<hbm>> -> memref<1x100000xf32, #tpu.memory_space<hbm>>
    %dma_start3A_57 = tpu.memref_squeeze %dma_start3A_56 : memref<1x100000xf32, #tpu.memory_space<hbm>> -> memref<100000xf32, #tpu.memory_space<hbm>>
    %dma_start3A_58 = arith.constant 0 : i32
    %dma_start3A_59 = tpu.memref_slice %arg4[%add3A_54, %dma_start3A_58] : memref<64x100000xf32, #tpu.memory_space<hbm>> -> memref<1x100000xf32, #tpu.memory_space<hbm>>
    %dma_start3A_60 = tpu.memref_squeeze %dma_start3A_59 : memref<1x100000xf32, #tpu.memory_space<hbm>> -> memref<100000xf32, #tpu.memory_space<hbm>>
    tpu.enqueue_dma source(%dma_start3A_60 : memref<100000xf32, #tpu.memory_space<hbm>>) target(%arg6 : memref<100000xf32, #tpu.memory_space<vmem>>) target_semaphore(%arg10 : memref<!tpu.dma_semaphore, #tpu.memory_space<semaphore_mem>>)
    %dma_start3A_61 = arith.constant 0 : i32
    %dma_start3A_62 = tpu.memref_slice %arg2[%add3A_54, %dma_start3A_61] : memref<64x16384xf32, #tpu.memory_space<hbm>> -> memref<1x16384xf32, #tpu.memory_space<hbm>>
    %dma_start3A_63 = tpu.memref_squeeze %dma_start3A_62 : memref<1x16384xf32, #tpu.memory_space<hbm>> -> memref<16384xf32, #tpu.memory_space<hbm>>
    %dma_start3A_64 = arith.constant 0 : i32
    %dma_start3A_65 = tpu.memref_slice %arg2[%add3A_54, %dma_start3A_64] : memref<64x16384xf32, #tpu.memory_space<hbm>> -> memref<1x16384xf32, #tpu.memory_space<hbm>>
    %dma_start3A_66 = tpu.memref_squeeze %dma_start3A_65 : memref<1x16384xf32, #tpu.memory_space<hbm>> -> memref<16384xf32, #tpu.memory_space<hbm>>
    tpu.enqueue_dma source(%dma_start3A_66 : memref<16384xf32, #tpu.memory_space<hbm>>) target(%arg7 : memref<16384xf32, #tpu.memory_space<vmem>>) target_semaphore(%arg11 : memref<!tpu.dma_semaphore, #tpu.memory_space<semaphore_mem>>)
    %dma_start3A_67 = arith.constant 0 : i32
    %dma_start3A_68 = tpu.memref_slice %arg3[%dma_start3A_67] : memref<16384xi32, #tpu.memory_space<hbm>> -> memref<8192xi32, #tpu.memory_space<hbm>>
    %dma_start3A_69 = arith.constant 0 : i32
    %dma_start3A_70 = tpu.memref_slice %arg3[%dma_start3A_69] : memref<16384xi32, #tpu.memory_space<hbm>> -> memref<8192xi32, #tpu.memory_space<hbm>>
    tpu.enqueue_dma source(%dma_start3A_70 : memref<8192xi32, #tpu.memory_space<hbm>>) target(%arg8 : memref<8192xi32, #tpu.memory_space<vmem>>) target_semaphore(%arg12 : memref<!tpu.dma_semaphore, #tpu.memory_space<semaphore_mem>>)
    %dma_wait3A_71 = arith.constant 0 : i32
    %dma_wait3A_72 = tpu.memref_slice %arg4[%add3A_54, %dma_wait3A_71] : memref<64x100000xf32, #tpu.memory_space<hbm>> -> memref<1x100000xf32, #tpu.memory_space<hbm>>
    %dma_wait3A_73 = tpu.memref_squeeze %dma_wait3A_72 : memref<1x100000xf32, #tpu.memory_space<hbm>> -> memref<100000xf32, #tpu.memory_space<hbm>>
    %dma_wait3A_74 = arith.constant 0 : i32
    %dma_wait3A_75 = tpu.memref_slice %arg4[%add3A_54, %dma_wait3A_74] : memref<64x100000xf32, #tpu.memory_space<hbm>> -> memref<1x100000xf32, #tpu.memory_space<hbm>>
    %dma_wait3A_76 = tpu.memref_squeeze %dma_wait3A_75 : memref<1x100000xf32, #tpu.memory_space<hbm>> -> memref<100000xf32, #tpu.memory_space<hbm>>
    tpu.wait_dma2 semaphore(%arg10 : memref<!tpu.dma_semaphore, #tpu.memory_space<semaphore_mem>>) src(%dma_wait3A_76 : memref<100000xf32, #tpu.memory_space<hbm>>) dst(%arg6 : memref<100000xf32, #tpu.memory_space<vmem>>)
    %dma_wait3A_77 = arith.constant 0 : i32
    %dma_wait3A_78 = tpu.memref_slice %arg2[%add3A_54, %dma_wait3A_77] : memref<64x16384xf32, #tpu.memory_space<hbm>> -> memref<1x16384xf32, #tpu.memory_space<hbm>>
    %dma_wait3A_79 = tpu.memref_squeeze %dma_wait3A_78 : memref<1x16384xf32, #tpu.memory_space<hbm>> -> memref<16384xf32, #tpu.memory_space<hbm>>
    %dma_wait3A_80 = arith.constant 0 : i32
    %dma_wait3A_81 = tpu.memref_slice %arg2[%add3A_54, %dma_wait3A_80] : memref<64x16384xf32, #tpu.memory_space<hbm>> -> memref<1x16384xf32, #tpu.memory_space<hbm>>
    %dma_wait3A_82 = tpu.memref_squeeze %dma_wait3A_81 : memref<1x16384xf32, #tpu.memory_space<hbm>> -> memref<16384xf32, #tpu.memory_space<hbm>>
    tpu.wait_dma2 semaphore(%arg11 : memref<!tpu.dma_semaphore, #tpu.memory_space<semaphore_mem>>) src(%dma_wait3A_82 : memref<16384xf32, #tpu.memory_space<hbm>>) dst(%arg7 : memref<16384xf32, #tpu.memory_space<vmem>>)
    %dma_wait3A_83 = arith.constant 0 : i32
    %dma_wait3A_84 = tpu.memref_slice %arg3[%dma_wait3A_83] : memref<16384xi32, #tpu.memory_space<hbm>> -> memref<8192xi32, #tpu.memory_space<hbm>>
    %dma_wait3A_85 = arith.constant 0 : i32
    %dma_wait3A_86 = tpu.memref_slice %arg3[%dma_wait3A_85] : memref<16384xi32, #tpu.memory_space<hbm>> -> memref<8192xi32, #tpu.memory_space<hbm>>
    tpu.wait_dma2 semaphore(%arg12 : memref<!tpu.dma_semaphore, #tpu.memory_space<semaphore_mem>>) src(%dma_wait3A_86 : memref<8192xi32, #tpu.memory_space<hbm>>) dst(%arg8 : memref<8192xi32, #tpu.memory_space<vmem>>)
    %scan3A_87 = arith.constant 0 : i32
    %scan3A_88 = arith.constant 64 : i32
    %scan3A_89 = arith.addi %scan3A_87, %scan3A_88 : i32
    %scan3A_90 = arith.constant 1 : i32
    %scan3A_91 = scf.for %scan3A_108 = %scan3A_87 to %scan3A_89 step %scan3A_90 iter_args(%scan3A_109 = %scan3A_51) -> (vector<16xf32>)  : i32 {
      %mul3A_110 = arith.constant 8 : i32
      %mul3A_111 = arith.muli %scan3A_108, %mul3A_110 : i32
      %add3A_112 = arith.constant 0 : i32
      %add3A_113 = arith.addi %mul3A_111, %add3A_112 : i32
      %mul3A_114 = arith.constant 16 : i32
      %mul3A_115 = arith.muli %add3A_113, %mul3A_114 : i32
      %get3A = arith.index_cast %mul3A_115 : i32 to index
      %get3A_116 = tpu.vector_load %arg8[%get3A] {strides = array<i32>} : memref<8192xi32, #tpu.memory_space<vmem>>, vector<16xi32>,
      %gather3A = tpu.vector_load_idx %arg6[%get3A_116] : memref<100000xf32, #tpu.memory_space<vmem>>[vector<16xi32>], vector<16xf32>,
      %add3A_117 = arith.constant 0 : i32
      %add3A_118 = arith.addi %add3A_117, %mul3A_115 : i32
      %get3A_119 = arith.index_cast %add3A_118 : i32 to index
      %get3A_120 = tpu.vector_load %arg7[%get3A_119] {strides = array<i32>} : memref<16384xf32, #tpu.memory_space<vmem>>, vector<16xf32>,
      %sub3A = arith.subf %get3A_120, %gather3A : vector<16xf32>
      %mul3A_121 = arith.mulf %sub3A, %sub3A : vector<16xf32>
      %add3A_122 = arith.addf %scan3A_109, %mul3A_121 : vector<16xf32>
      %mul3A_123 = arith.constant 8 : i32
      %mul3A_124 = arith.muli %scan3A_108, %mul3A_123 : i32
      %add3A_125 = arith.constant 1 : i32
      %add3A_126 = arith.addi %mul3A_124, %add3A_125 : i32
      %mul3A_127 = arith.constant 16 : i32
      %mul3A_128 = arith.muli %add3A_126, %mul3A_127 : i32
      %get3A_129 = arith.index_cast %mul3A_128 : i32 to index
      %get3A_130 = tpu.vector_load %arg8[%get3A_129] {strides = array<i32>} : memref<8192xi32, #tpu.memory_space<vmem>>, vector<16xi32>,
      %gather3A_131 = tpu.vector_load_idx %arg6[%get3A_130] : memref<100000xf32, #tpu.memory_space<vmem>>[vector<16xi32>], vector<16xf32>,
      %add3A_132 = arith.constant 0 : i32
      %add3A_133 = arith.addi %add3A_132, %mul3A_128 : i32
      %get3A_134 = arith.index_cast %add3A_133 : i32 to index
      %get3A_135 = tpu.vector_load %arg7[%get3A_134] {strides = array<i32>} : memref<16384xf32, #tpu.memory_space<vmem>>, vector<16xf32>,
      %sub3A_136 = arith.subf %get3A_135, %gather3A_131 : vector<16xf32>
      %mul3A_137 = arith.mulf %sub3A_136, %sub3A_136 : vector<16xf32>
      %add3A_138 = arith.addf %add3A_122, %mul3A_137 : vector<16xf32>
      %mul3A_139 = arith.constant 8 : i32
      %mul3A_140 = arith.muli %scan3A_108, %mul3A_139 : i32
      %add3A_141 = arith.constant 2 : i32
      %add3A_142 = arith.addi %mul3A_140, %add3A_141 : i32
      %mul3A_143 = arith.constant 16 : i32
      %mul3A_144 = arith.muli %add3A_142, %mul3A_143 : i32
      %get3A_145 = arith.index_cast %mul3A_144 : i32 to index
      %get3A_146 = tpu.vector_load %arg8[%get3A_145] {strides = array<i32>} : memref<8192xi32, #tpu.memory_space<vmem>>, vector<16xi32>,
      %gather3A_147 = tpu.vector_load_idx %arg6[%get3A_146] : memref<100000xf32, #tpu.memory_space<vmem>>[vector<16xi32>], vector<16xf32>,
      %add3A_148 = arith.constant 0 : i32
      %add3A_149 = arith.addi %add3A_148, %mul3A_144 : i32
      %get3A_150 = arith.index_cast %add3A_149 : i32 to index
      %get3A_151 = tpu.vector_load %arg7[%get3A_150] {strides = array<i32>} : memref<16384xf32, #tpu.memory_space<vmem>>, vector<16xf32>,
      %sub3A_152 = arith.subf %get3A_151, %gather3A_147 : vector<16xf32>
      %mul3A_153 = arith.mulf %sub3A_152, %sub3A_152 : vector<16xf32>
      %add3A_154 = arith.addf %add3A_138, %mul3A_153 : vector<16xf32>
      %mul3A_155 = arith.constant 8 : i32
      %mul3A_156 = arith.muli %scan3A_108, %mul3A_155 : i32
      %add3A_157 = arith.constant 3 : i32
      %add3A_158 = arith.addi %mul3A_156, %add3A_157 : i32
      %mul3A_159 = arith.constant 16 : i32
      %mul3A_160 = arith.muli %add3A_158, %mul3A_159 : i32
      %get3A_161 = arith.index_cast %mul3A_160 : i32 to index
      %get3A_162 = tpu.vector_load %arg8[%get3A_161] {strides = array<i32>} : memref<8192xi32, #tpu.memory_space<vmem>>, vector<16xi32>,
      %gather3A_163 = tpu.vector_load_idx %arg6[%get3A_162] : memref<100000xf32, #tpu.memory_space<vmem>>[vector<16xi32>], vector<16xf32>,
      %add3A_164 = arith.constant 0 : i32
      %add3A_165 = arith.addi %add3A_164, %mul3A_160 : i32
      %get3A_166 = arith.index_cast %add3A_165 : i32 to index
      %get3A_167 = tpu.vector_load %arg7[%get3A_166] {strides = array<i32>} : memref<16384xf32, #tpu.memory_space<vmem>>, vector<16xf32>,
      %sub3A_168 = arith.subf %get3A_167, %gather3A_163 : vector<16xf32>
      %mul3A_169 = arith.mulf %sub3A_168, %sub3A_168 : vector<16xf32>
      %add3A_170 = arith.addf %add3A_154, %mul3A_169 : vector<16xf32>
      %mul3A_171 = arith.constant 8 : i32
      %mul3A_172 = arith.muli %scan3A_108, %mul3A_171 : i32
      %add3A_173 = arith.constant 4 : i32
      %add3A_174 = arith.addi %mul3A_172, %add3A_173 : i32
      %mul3A_175 = arith.constant 16 : i32
      %mul3A_176 = arith.muli %add3A_174, %mul3A_175 : i32
      %get3A_177 = arith.index_cast %mul3A_176 : i32 to index
      %get3A_178 = tpu.vector_load %arg8[%get3A_177] {strides = array<i32>} : memref<8192xi32, #tpu.memory_space<vmem>>, vector<16xi32>,
      %gather3A_179 = tpu.vector_load_idx %arg6[%get3A_178] : memref<100000xf32, #tpu.memory_space<vmem>>[vector<16xi32>], vector<16xf32>,
      %add3A_180 = arith.constant 0 : i32
      %add3A_181 = arith.addi %add3A_180, %mul3A_176 : i32
      %get3A_182 = arith.index_cast %add3A_181 : i32 to index
      %get3A_183 = tpu.vector_load %arg7[%get3A_182] {strides = array<i32>} : memref<16384xf32, #tpu.memory_space<vmem>>, vector<16xf32>,
      %sub3A_184 = arith.subf %get3A_183, %gather3A_179 : vector<16xf32>
      %mul3A_185 = arith.mulf %sub3A_184, %sub3A_184 : vector<16xf32>
      %add3A_186 = arith.addf %add3A_170, %mul3A_185 : vector<16xf32>
      %mul3A_187 = arith.constant 8 : i32
      %mul3A_188 = arith.muli %scan3A_108, %mul3A_187 : i32
      %add3A_189 = arith.constant 5 : i32
      %add3A_190 = arith.addi %mul3A_188, %add3A_189 : i32
      %mul3A_191 = arith.constant 16 : i32
      %mul3A_192 = arith.muli %add3A_190, %mul3A_191 : i32
      %get3A_193 = arith.index_cast %mul3A_192 : i32 to index
      %get3A_194 = tpu.vector_load %arg8[%get3A_193] {strides = array<i32>} : memref<8192xi32, #tpu.memory_space<vmem>>, vector<16xi32>,
      %gather3A_195 = tpu.vector_load_idx %arg6[%get3A_194] : memref<100000xf32, #tpu.memory_space<vmem>>[vector<16xi32>], vector<16xf32>,
      %add3A_196 = arith.constant 0 : i32
      %add3A_197 = arith.addi %add3A_196, %mul3A_192 : i32
      %get3A_198 = arith.index_cast %add3A_197 : i32 to index
      %get3A_199 = tpu.vector_load %arg7[%get3A_198] {strides = array<i32>} : memref<16384xf32, #tpu.memory_space<vmem>>, vector<16xf32>,
      %sub3A_200 = arith.subf %get3A_199, %gather3A_195 : vector<16xf32>
      %mul3A_201 = arith.mulf %sub3A_200, %sub3A_200 : vector<16xf32>
      %add3A_202 = arith.addf %add3A_186, %mul3A_201 : vector<16xf32>
      %mul3A_203 = arith.constant 8 : i32
      %mul3A_204 = arith.muli %scan3A_108, %mul3A_203 : i32
      %add3A_205 = arith.constant 6 : i32
      %add3A_206 = arith.addi %mul3A_204, %add3A_205 : i32
      %mul3A_207 = arith.constant 16 : i32
      %mul3A_208 = arith.muli %add3A_206, %mul3A_207 : i32
      %get3A_209 = arith.index_cast %mul3A_208 : i32 to index
      %get3A_210 = tpu.vector_load %arg8[%get3A_209] {strides = array<i32>} : memref<8192xi32, #tpu.memory_space<vmem>>, vector<16xi32>,
      %gather3A_211 = tpu.vector_load_idx %arg6[%get3A_210] : memref<100000xf32, #tpu.memory_space<vmem>>[vector<16xi32>], vector<16xf32>,
      %add3A_212 = arith.constant 0 : i32
      %add3A_213 = arith.addi %add3A_212, %mul3A_208 : i32
      %get3A_214 = arith.index_cast %add3A_213 : i32 to index
      %get3A_215 = tpu.vector_load %arg7[%get3A_214] {strides = array<i32>} : memref<16384xf32, #tpu.memory_space<vmem>>, vector<16xf32>,
      %sub3A_216 = arith.subf %get3A_215, %gather3A_211 : vector<16xf32>
      %mul3A_217 = arith.mulf %sub3A_216, %sub3A_216 : vector<16xf32>
      %add3A_218 = arith.addf %add3A_202, %mul3A_217 : vector<16xf32>
      %mul3A_219 = arith.constant 8 : i32
      %mul3A_220 = arith.muli %scan3A_108, %mul3A_219 : i32
      %add3A_221 = arith.constant 7 : i32
      %add3A_222 = arith.addi %mul3A_220, %add3A_221 : i32
      %mul3A_223 = arith.constant 16 : i32
      %mul3A_224 = arith.muli %add3A_222, %mul3A_223 : i32
      %get3A_225 = arith.index_cast %mul3A_224 : i32 to index
      %get3A_226 = tpu.vector_load %arg8[%get3A_225] {strides = array<i32>} : memref<8192xi32, #tpu.memory_space<vmem>>, vector<16xi32>,
      %gather3A_227 = tpu.vector_load_idx %arg6[%get3A_226] : memref<100000xf32, #tpu.memory_space<vmem>>[vector<16xi32>], vector<16xf32>,
      %add3A_228 = arith.constant 0 : i32
      %add3A_229 = arith.addi %add3A_228, %mul3A_224 : i32
      %get3A_230 = arith.index_cast %add3A_229 : i32 to index
      %get3A_231 = tpu.vector_load %arg7[%get3A_230] {strides = array<i32>} : memref<16384xf32, #tpu.memory_space<vmem>>, vector<16xf32>,
      %sub3A_232 = arith.subf %get3A_231, %gather3A_227 : vector<16xf32>
      %mul3A_233 = arith.mulf %sub3A_232, %sub3A_232 : vector<16xf32>
      %add3A_234 = arith.addf %add3A_218, %mul3A_233 : vector<16xf32>
      scf.yield %add3A_234 : vector<16xf32>
    }
    %scan3A_92 = arith.constant 64 : i32
    %dma_start3A_93 = arith.constant 8192 : i32
    %dma_start3A_94 = tpu.memref_slice %arg3[%dma_start3A_93] : memref<16384xi32, #tpu.memory_space<hbm>> -> memref<8192xi32, #tpu.memory_space<hbm>>
    %dma_start3A_95 = arith.constant 8192 : i32
    %dma_start3A_96 = tpu.memref_slice %arg3[%dma_start3A_95] : memref<16384xi32, #tpu.memory_space<hbm>> -> memref<8192xi32, #tpu.memory_space<hbm>>
    tpu.enqueue_dma source(%dma_start3A_96 : memref<8192xi32, #tpu.memory_space<hbm>>) target(%arg8 : memref<8192xi32, #tpu.memory_space<vmem>>) target_semaphore(%arg12 : memref<!tpu.dma_semaphore, #tpu.memory_space<semaphore_mem>>)
    %dma_wait3A_97 = arith.constant 8192 : i32
    %dma_wait3A_98 = tpu.memref_slice %arg3[%dma_wait3A_97] : memref<16384xi32, #tpu.memory_space<hbm>> -> memref<8192xi32, #tpu.memory_space<hbm>>
    %dma_wait3A_99 = arith.constant 8192 : i32
    %dma_wait3A_100 = tpu.memref_slice %arg3[%dma_wait3A_99] : memref<16384xi32, #tpu.memory_space<hbm>> -> memref<8192xi32, #tpu.memory_space<hbm>>
    tpu.wait_dma2 semaphore(%arg12 : memref<!tpu.dma_semaphore, #tpu.memory_space<semaphore_mem>>) src(%dma_wait3A_100 : memref<8192xi32, #tpu.memory_space<hbm>>) dst(%arg8 : memref<8192xi32, #tpu.memory_space<vmem>>)
    %scan3A_101 = arith.constant 0 : i32
    %scan3A_102 = arith.constant 64 : i32
    %scan3A_103 = arith.addi %scan3A_101, %scan3A_102 : i32
    %scan3A_104 = arith.constant 1 : i32
    %scan3A_105 = scf.for %scan3A_108 = %scan3A_101 to %scan3A_103 step %scan3A_104 iter_args(%scan3A_109 = %scan3A_91) -> (vector<16xf32>)  : i32 {
      %mul3A_110 = arith.constant 8 : i32
      %mul3A_111 = arith.muli %scan3A_108, %mul3A_110 : i32
      %add3A_112 = arith.constant 0 : i32
      %add3A_113 = arith.addi %mul3A_111, %add3A_112 : i32
      %mul3A_114 = arith.constant 16 : i32
      %mul3A_115 = arith.muli %add3A_113, %mul3A_114 : i32
      %get3A = arith.index_cast %mul3A_115 : i32 to index
      %get3A_116 = tpu.vector_load %arg8[%get3A] {strides = array<i32>} : memref<8192xi32, #tpu.memory_space<vmem>>, vector<16xi32>,
      %gather3A = tpu.vector_load_idx %arg6[%get3A_116] : memref<100000xf32, #tpu.memory_space<vmem>>[vector<16xi32>], vector<16xf32>,
      %add3A_117 = arith.constant 8192 : i32
      %add3A_118 = arith.addi %add3A_117, %mul3A_115 : i32
      %get3A_119 = arith.index_cast %add3A_118 : i32 to index
      %get3A_120 = tpu.vector_load %arg7[%get3A_119] {strides = array<i32>} : memref<16384xf32, #tpu.memory_space<vmem>>, vector<16xf32>,
      %sub3A = arith.subf %get3A_120, %gather3A : vector<16xf32>
      %mul3A_121 = arith.mulf %sub3A, %sub3A : vector<16xf32>
      %add3A_122 = arith.addf %scan3A_109, %mul3A_121 : vector<16xf32>
      %mul3A_123 = arith.constant 8 : i32
      %mul3A_124 = arith.muli %scan3A_108, %mul3A_123 : i32
      %add3A_125 = arith.constant 1 : i32
      %add3A_126 = arith.addi %mul3A_124, %add3A_125 : i32
      %mul3A_127 = arith.constant 16 : i32
      %mul3A_128 = arith.muli %add3A_126, %mul3A_127 : i32
      %get3A_129 = arith.index_cast %mul3A_128 : i32 to index
      %get3A_130 = tpu.vector_load %arg8[%get3A_129] {strides = array<i32>} : memref<8192xi32, #tpu.memory_space<vmem>>, vector<16xi32>,
      %gather3A_131 = tpu.vector_load_idx %arg6[%get3A_130] : memref<100000xf32, #tpu.memory_space<vmem>>[vector<16xi32>], vector<16xf32>,
      %add3A_132 = arith.constant 8192 : i32
      %add3A_133 = arith.addi %add3A_132, %mul3A_128 : i32
      %get3A_134 = arith.index_cast %add3A_133 : i32 to index
      %get3A_135 = tpu.vector_load %arg7[%get3A_134] {strides = array<i32>} : memref<16384xf32, #tpu.memory_space<vmem>>, vector<16xf32>,
      %sub3A_136 = arith.subf %get3A_135, %gather3A_131 : vector<16xf32>
      %mul3A_137 = arith.mulf %sub3A_136, %sub3A_136 : vector<16xf32>
      %add3A_138 = arith.addf %add3A_122, %mul3A_137 : vector<16xf32>
      %mul3A_139 = arith.constant 8 : i32
      %mul3A_140 = arith.muli %scan3A_108, %mul3A_139 : i32
      %add3A_141 = arith.constant 2 : i32
      %add3A_142 = arith.addi %mul3A_140, %add3A_141 : i32
      %mul3A_143 = arith.constant 16 : i32
      %mul3A_144 = arith.muli %add3A_142, %mul3A_143 : i32
      %get3A_145 = arith.index_cast %mul3A_144 : i32 to index
      %get3A_146 = tpu.vector_load %arg8[%get3A_145] {strides = array<i32>} : memref<8192xi32, #tpu.memory_space<vmem>>, vector<16xi32>,
      %gather3A_147 = tpu.vector_load_idx %arg6[%get3A_146] : memref<100000xf32, #tpu.memory_space<vmem>>[vector<16xi32>], vector<16xf32>,
      %add3A_148 = arith.constant 8192 : i32
      %add3A_149 = arith.addi %add3A_148, %mul3A_144 : i32
      %get3A_150 = arith.index_cast %add3A_149 : i32 to index
      %get3A_151 = tpu.vector_load %arg7[%get3A_150] {strides = array<i32>} : memref<16384xf32, #tpu.memory_space<vmem>>, vector<16xf32>,
      %sub3A_152 = arith.subf %get3A_151, %gather3A_147 : vector<16xf32>
      %mul3A_153 = arith.mulf %sub3A_152, %sub3A_152 : vector<16xf32>
      %add3A_154 = arith.addf %add3A_138, %mul3A_153 : vector<16xf32>
      %mul3A_155 = arith.constant 8 : i32
      %mul3A_156 = arith.muli %scan3A_108, %mul3A_155 : i32
      %add3A_157 = arith.constant 3 : i32
      %add3A_158 = arith.addi %mul3A_156, %add3A_157 : i32
      %mul3A_159 = arith.constant 16 : i32
      %mul3A_160 = arith.muli %add3A_158, %mul3A_159 : i32
      %get3A_161 = arith.index_cast %mul3A_160 : i32 to index
      %get3A_162 = tpu.vector_load %arg8[%get3A_161] {strides = array<i32>} : memref<8192xi32, #tpu.memory_space<vmem>>, vector<16xi32>,
      %gather3A_163 = tpu.vector_load_idx %arg6[%get3A_162] : memref<100000xf32, #tpu.memory_space<vmem>>[vector<16xi32>], vector<16xf32>,
      %add3A_164 = arith.constant 8192 : i32
      %add3A_165 = arith.addi %add3A_164, %mul3A_160 : i32
      %get3A_166 = arith.index_cast %add3A_165 : i32 to index
      %get3A_167 = tpu.vector_load %arg7[%get3A_166] {strides = array<i32>} : memref<16384xf32, #tpu.memory_space<vmem>>, vector<16xf32>,
      %sub3A_168 = arith.subf %get3A_167, %gather3A_163 : vector<16xf32>
      %mul3A_169 = arith.mulf %sub3A_168, %sub3A_168 : vector<16xf32>
      %add3A_170 = arith.addf %add3A_154, %mul3A_169 : vector<16xf32>
      %mul3A_171 = arith.constant 8 : i32
      %mul3A_172 = arith.muli %scan3A_108, %mul3A_171 : i32
      %add3A_173 = arith.constant 4 : i32
      %add3A_174 = arith.addi %mul3A_172, %add3A_173 : i32
      %mul3A_175 = arith.constant 16 : i32
      %mul3A_176 = arith.muli %add3A_174, %mul3A_175 : i32
      %get3A_177 = arith.index_cast %mul3A_176 : i32 to index
      %get3A_178 = tpu.vector_load %arg8[%get3A_177] {strides = array<i32>} : memref<8192xi32, #tpu.memory_space<vmem>>, vector<16xi32>,
      %gather3A_179 = tpu.vector_load_idx %arg6[%get3A_178] : memref<100000xf32, #tpu.memory_space<vmem>>[vector<16xi32>], vector<16xf32>,
      %add3A_180 = arith.constant 8192 : i32
      %add3A_181 = arith.addi %add3A_180, %mul3A_176 : i32
      %get3A_182 = arith.index_cast %add3A_181 : i32 to index
      %get3A_183 = tpu.vector_load %arg7[%get3A_182] {strides = array<i32>} : memref<16384xf32, #tpu.memory_space<vmem>>, vector<16xf32>,
      %sub3A_184 = arith.subf %get3A_183, %gather3A_179 : vector<16xf32>
      %mul3A_185 = arith.mulf %sub3A_184, %sub3A_184 : vector<16xf32>
      %add3A_186 = arith.addf %add3A_170, %mul3A_185 : vector<16xf32>
      %mul3A_187 = arith.constant 8 : i32
      %mul3A_188 = arith.muli %scan3A_108, %mul3A_187 : i32
      %add3A_189 = arith.constant 5 : i32
      %add3A_190 = arith.addi %mul3A_188, %add3A_189 : i32
      %mul3A_191 = arith.constant 16 : i32
      %mul3A_192 = arith.muli %add3A_190, %mul3A_191 : i32
      %get3A_193 = arith.index_cast %mul3A_192 : i32 to index
      %get3A_194 = tpu.vector_load %arg8[%get3A_193] {strides = array<i32>} : memref<8192xi32, #tpu.memory_space<vmem>>, vector<16xi32>,
      %gather3A_195 = tpu.vector_load_idx %arg6[%get3A_194] : memref<100000xf32, #tpu.memory_space<vmem>>[vector<16xi32>], vector<16xf32>,
      %add3A_196 = arith.constant 8192 : i32
      %add3A_197 = arith.addi %add3A_196, %mul3A_192 : i32
      %get3A_198 = arith.index_cast %add3A_197 : i32 to index
      %get3A_199 = tpu.vector_load %arg7[%get3A_198] {strides = array<i32>} : memref<16384xf32, #tpu.memory_space<vmem>>, vector<16xf32>,
      %sub3A_200 = arith.subf %get3A_199, %gather3A_195 : vector<16xf32>
      %mul3A_201 = arith.mulf %sub3A_200, %sub3A_200 : vector<16xf32>
      %add3A_202 = arith.addf %add3A_186, %mul3A_201 : vector<16xf32>
      %mul3A_203 = arith.constant 8 : i32
      %mul3A_204 = arith.muli %scan3A_108, %mul3A_203 : i32
      %add3A_205 = arith.constant 6 : i32
      %add3A_206 = arith.addi %mul3A_204, %add3A_205 : i32
      %mul3A_207 = arith.constant 16 : i32
      %mul3A_208 = arith.muli %add3A_206, %mul3A_207 : i32
      %get3A_209 = arith.index_cast %mul3A_208 : i32 to index
      %get3A_210 = tpu.vector_load %arg8[%get3A_209] {strides = array<i32>} : memref<8192xi32, #tpu.memory_space<vmem>>, vector<16xi32>,
      %gather3A_211 = tpu.vector_load_idx %arg6[%get3A_210] : memref<100000xf32, #tpu.memory_space<vmem>>[vector<16xi32>], vector<16xf32>,
      %add3A_212 = arith.constant 8192 : i32
      %add3A_213 = arith.addi %add3A_212, %mul3A_208 : i32
      %get3A_214 = arith.index_cast %add3A_213 : i32 to index
      %get3A_215 = tpu.vector_load %arg7[%get3A_214] {strides = array<i32>} : memref<16384xf32, #tpu.memory_space<vmem>>, vector<16xf32>,
      %sub3A_216 = arith.subf %get3A_215, %gather3A_211 : vector<16xf32>
      %mul3A_217 = arith.mulf %sub3A_216, %sub3A_216 : vector<16xf32>
      %add3A_218 = arith.addf %add3A_202, %mul3A_217 : vector<16xf32>
      %mul3A_219 = arith.constant 8 : i32
      %mul3A_220 = arith.muli %scan3A_108, %mul3A_219 : i32
      %add3A_221 = arith.constant 7 : i32
      %add3A_222 = arith.addi %mul3A_220, %add3A_221 : i32
      %mul3A_223 = arith.constant 16 : i32
      %mul3A_224 = arith.muli %add3A_222, %mul3A_223 : i32
      %get3A_225 = arith.index_cast %mul3A_224 : i32 to index
      %get3A_226 = tpu.vector_load %arg8[%get3A_225] {strides = array<i32>} : memref<8192xi32, #tpu.memory_space<vmem>>, vector<16xi32>,
      %gather3A_227 = tpu.vector_load_idx %arg6[%get3A_226] : memref<100000xf32, #tpu.memory_space<vmem>>[vector<16xi32>], vector<16xf32>,
      %add3A_228 = arith.constant 8192 : i32
      %add3A_229 = arith.addi %add3A_228, %mul3A_224 : i32
      %get3A_230 = arith.index_cast %add3A_229 : i32 to index
      %get3A_231 = tpu.vector_load %arg7[%get3A_230] {strides = array<i32>} : memref<16384xf32, #tpu.memory_space<vmem>>, vector<16xf32>,
      %sub3A_232 = arith.subf %get3A_231, %gather3A_227 : vector<16xf32>
      %mul3A_233 = arith.mulf %sub3A_232, %sub3A_232 : vector<16xf32>
      %add3A_234 = arith.addf %add3A_218, %mul3A_233 : vector<16xf32>
      scf.yield %add3A_234 : vector<16xf32>
    }
    %scan3A_106 = arith.constant 64 : i32
    %swap3A = arith.constant 0 : index
    %swap3A_107 = tpu.vector_load %arg9[%swap3A] {strides = array<i32>} : memref<16xf32, #tpu.memory_space<vmem>>, vector<16xf32>,
    tpu.vector_store %arg9[%swap3A], %scan3A_105 {strides = array<i32>} : memref<16xf32, #tpu.memory_space<vmem>>, vector<16xf32>,
    "tpu.region"() ({
      %run_scoped3A = tpu.sem_alloc : memref<!tpu.dma_semaphore, #tpu.memory_space<semaphore_mem>>
      %dma_start3A_108 = arith.constant 0 : i32
      %dma_start3A_109 = tpu.memref_slice %arg5[%add3A, %dma_start3A_108] : memref<32x16xf32, #tpu.memory_space<hbm>> -> memref<1x16xf32, #tpu.memory_space<hbm>>
      %dma_start3A_110 = tpu.memref_squeeze %dma_start3A_109 : memref<1x16xf32, #tpu.memory_space<hbm>> -> memref<16xf32, #tpu.memory_space<hbm>>
      %dma_start3A_111 = arith.constant 0 : i32
      %dma_start3A_112 = tpu.memref_slice %arg5[%add3A, %dma_start3A_111] : memref<32x16xf32, #tpu.memory_space<hbm>> -> memref<1x16xf32, #tpu.memory_space<hbm>>
      %dma_start3A_113 = tpu.memref_squeeze %dma_start3A_112 : memref<1x16xf32, #tpu.memory_space<hbm>> -> memref<16xf32, #tpu.memory_space<hbm>>
      tpu.enqueue_dma source(%arg9 : memref<16xf32, #tpu.memory_space<vmem>>) target(%dma_start3A_113 : memref<16xf32, #tpu.memory_space<hbm>>) target_semaphore(%run_scoped3A : memref<!tpu.dma_semaphore, #tpu.memory_space<semaphore_mem>>)
      %dma_wait3A_114 = arith.constant 0 : i32
      %dma_wait3A_115 = tpu.memref_slice %arg5[%add3A, %dma_wait3A_114] : memref<32x16xf32, #tpu.memory_space<hbm>> -> memref<1x16xf32, #tpu.memory_space<hbm>>
      %dma_wait3A_116 = tpu.memref_squeeze %dma_wait3A_115 : memref<1x16xf32, #tpu.memory_space<hbm>> -> memref<16xf32, #tpu.memory_space<hbm>>
      %dma_wait3A_117 = arith.constant 0 : i32
      %dma_wait3A_118 = tpu.memref_slice %arg5[%add3A, %dma_wait3A_117] : memref<32x16xf32, #tpu.memory_space<hbm>> -> memref<1x16xf32, #tpu.memory_space<hbm>>
      %dma_wait3A_119 = tpu.memref_squeeze %dma_wait3A_118 : memref<1x16xf32, #tpu.memory_space<hbm>> -> memref<16xf32, #tpu.memory_space<hbm>>
      tpu.wait_dma2 semaphore(%run_scoped3A : memref<!tpu.dma_semaphore, #tpu.memory_space<semaphore_mem>>) src(%arg9 : memref<16xf32, #tpu.memory_space<vmem>>) dst(%dma_wait3A_119 : memref<16xf32, #tpu.memory_space<hbm>>)
      tpu.yield
    }) : () -> ()
    return
  }
}

</mosaic_0001>

<sc_bundles>
// kernel: kernel.3.cloned.1.call-start
scs
__scs_entry_jumppad:
0x0: {  	(pc) =	sbr.rel $0x88, $3  }
0x1: {  	(tag) =	ssettag $0x0;
	lr =	simm.s32 $0x1  }
0x2: {  	[smem:$0x3F9E] =	sst lr;
	_ =	strace $0xD0000000  }
0x3: {  	_ = 	snop  }
0x4: {  	_ = 	snop  }
0x5: {  	_ = 	snop  }
0x6: {  	_ = 	snop  }
0x7: {  	_ = 	snop  }
__scs_overlays_trampoline_lowered:
0x8: {  	[smem:$0x3FAD] =	sst s0  }
0x9: {  	[smem:$0x3FAE] =	sst s1  }
0xa: {  	[smem:$0x3FAF] =	sst s2  }
0xb: {  	[smem:$0x3FB0] =	sst s3  }
0xc: {  	[smem:$0x3FB1] =	sst s4  }
0xd: {  	[smem:$0x3FB2] =	sst s5  }
0xe: {  	[smem:$0x3FB3] =	sst s6  }
0xf: {  	[smem:$0x3FB4] =	sst s7  }
0x10: {  	[smem:$0x3FB5] =	sst s8  }
0x11: {  	[smem:$0x3FB6] =	sst s9;
	s0 =	simm.s32 @!p0 $0x0  }
0x12: {  	s1 =	sld [smem:$0x3F9C];
	s0 =	simm.s32 @p0 $0x1  }
0x13: {  	[smem:$0x3FB7] =	sst s0;
	s0 =	simm.s32 @!p1 $0x0  }
0x14: {  	s2 =	sld [smem:$0x3F9B];
	s0 =	simm.s32 @p1 $0x1  }
0x15: {  	[smem:$0x3FB8] =	sst s0;
	s0 =	simm.s32 @!p2 $0x0  }
0x16: {  	s3 =	sld [smem:$0x3FDB];
	s0 =	simm.s32 @p2 $0x1  }
0x17: {  	s4 =	simm.s32 $0x1BF5;
	[smem:$0x3FBA] =	sst s0  }
0x18: {  	s0 =	sld [smem:$0x3F9D];
	_ =	swait.ge [sflag:s4], $0x0  }
0x19: {  	s7 =	sld [smem:$0x3F9E]  }
0x1a: {  	s8 =	sadd.s32 $0xFFFFE003, lr  }
0x1b: {  	s9 =	sadd.s32 $0xFFFFFEF7, lr;
	s5 =	simm.s32 $0xFFFFFFFF;
	p2 =	slt.u32 s8, $0xFFFFF086  }
0x1c: {  	p1 =	slt.u32 s9, $0xF7A;
	s5 =	simm.s32 @!p2 $0x0  }
0x1d: {  	s5 =	simm.s32 @p1 $0x1;
	p0 =	seq.s32 s7, s2  }
0x1e: {  	s7 =	smul.u32 @!p0 $0xF7A, s2;
	p2 =	seq.s32 @!p0 s5, $0x0  }
0x1f: {  	s9 =	smul.u32 $0xF7A, s1;
	s8 =	simm.s32 @!p0 $0x1BF5;
	p2 =	por !p2, p0  }
0x20: {  	[sflag:s8] =	ssyncset.s32 @!p0 $0xFFFFF086;
	s6 =	sadd.s32 @!p0 s3, s7;
	s7 =	simm.s32 @!p0 $0x108  }
0x21: {  	s3 =	sadd.s32 s3, s9;
	s6 =	sadd.s32 @!p0 $0x88, s6;
	s7 =	simm.s32 @p2 $0x1082  }
0x22: {  	[simem:s7], [sflag:s8] =	dma.local @!p0 [hbm:s6], $0xF7A  }
0x23: {  	s9 =	sor.u32 $0xD0000000, s2;
	s6 =	simm.s32 $0x108;
	_ =	swait.ge @!p0 [sflag:s8], $0x0  }
0x24: {  	s3 =	sadd.s32 $0x88, s3;
	s6 =	simm.s32 @!p1 $0x1082;
	[sflag:s4] =	ssyncset.s32 $0xFFFFF086  }
0x25: {  	[simem:s6], [sflag:s4] =	dma.local [hbm:s3], $0xF7A  }
0x26: {  	[smem:$0x3F9E] =	sst s1;
	(tag) =	ssettag s2;
	_ =	strace s9  }
0x27: {  	s1 =	sld [smem:$0x3FAE]  }
0x28: {  	s2 =	sld [smem:$0x3FAF]  }
0x29: {  	s4 =	sld [smem:$0x3FB1]  }
0x2a: {  	p0 =	seq.s32 s5, $0x0;
	s5 =	sld [smem:$0x3FB2]  }
0x2b: {  	s6 =	sld [smem:$0x3FB3]  }
0x2c: {  	s7 =	sld [smem:$0x3FB4]  }
0x2d: {  	s3 =	simm.s32 $0x108;
	s8 =	sld [smem:$0x3FB5]  }
0x2e: {  	s3 =	simm.s32 @!p0 $0x1082;
	s9 =	sld [smem:$0x3FB6]  }
0x2f: {  	lr =	sadd.s32 s0, s3;
	s0 =	sld [smem:$0x3FAD]  }
0x30: {  	s3 =	sld [smem:$0x3FB0]  }
0x31: {  	[smem:$0x3FB9] =	sst s10  }
0x32: {  	s10 =	sld [smem:$0x3FB7];
	_ =	sdelay $0x3  }
0x33: {  	p0 =	seq.s32 s10, $0x1;
	s10 =	sld [smem:$0x3FB9];
	_ =	sdelay $0x3  }
0x34: {  	[smem:$0x3FB9] =	sst s10  }
0x35: {  	s10 =	sld [smem:$0x3FB8];
	_ =	sdelay $0x3  }
0x36: {  	p1 =	seq.s32 s10, $0x1;
	s10 =	sld [smem:$0x3FB9];
	_ =	sdelay $0x3  }
0x37: {  	[smem:$0x3FB9] =	sst s10  }
0x38: {  	s10 =	sld [smem:$0x3FBA]  }
0x39: {  	_ = 	snop;
	(pc) =	sbr.ind lr, $3  }
0x3a: {  	_ = 	snop  }
0x3b: {  	_ = 	snop  }
0x3c: {  	p2 =	seq.s32 s10, $0x1;
	s10 =	sld [smem:$0x3FB9]  }
0x3d: {  	_ =	shalt  }
0x3e: {  	_ =	shalt  }
0x3f: {  	_ =	shalt  }
0x40: {  	_ =	shalt  }
0x41: {  	_ =	shalt  }
0x42: {  	_ =	shalt  }
0x43: {  	_ =	shalt  }
0x44: {  	_ =	shalt  }
0x45: {  	_ =	shalt  }
0x46: {  	_ =	shalt  }
0x47: {  	_ =	shalt  }
0x48: {  	_ =	shalt  }
0x49: {  	_ =	shalt  }
0x4a: {  	_ =	shalt  }
0x4b: {  	_ =	shalt  }
0x4c: {  	_ =	shalt  }
0x4d: {  	_ =	shalt  }
0x4e: {  	_ =	shalt  }
0x4f: {  	_ =	shalt  }
0x50: {  	_ =	shalt  }
0x51: {  	_ =	shalt  }
0x52: {  	_ =	shalt  }
0x53: {  	_ =	shalt  }
0x54: {  	_ =	shalt  }
0x55: {  	_ =	shalt  }
0x56: {  	_ =	shalt  }
0x57: {  	_ =	shalt  }
0x58: {  	_ =	shalt  }
0x59: {  	_ =	shalt  }
0x5a: {  	_ =	shalt  }
0x5b: {  	_ =	shalt  }
0x5c: {  	_ =	shalt  }
0x5d: {  	_ =	shalt  }
0x5e: {  	_ =	shalt  }
0x5f: {  	_ =	shalt  }
0x60: {  	_ =	shalt  }
0x61: {  	_ =	shalt  }
0x62: {  	_ =	shalt  }
0x63: {  	_ =	shalt  }
0x64: {  	_ =	shalt  }
0x65: {  	_ =	shalt  }
0x66: {  	_ =	shalt  }
0x67: {  	_ =	shalt  }
0x68: {  	_ =	shalt  }
0x69: {  	_ =	shalt  }
0x6a: {  	_ =	shalt  }
0x6b: {  	_ =	shalt  }
0x6c: {  	_ =	shalt  }
0x6d: {  	_ =	shalt  }
0x6e: {  	_ =	shalt  }
0x6f: {  	_ =	shalt  }
0x70: {  	_ =	shalt  }
0x71: {  	_ =	shalt  }
0x72: {  	_ =	shalt  }
0x73: {  	_ =	shalt  }
0x74: {  	_ =	shalt  }
0x75: {  	_ =	shalt  }
0x76: {  	_ =	shalt  }
0x77: {  	_ =	shalt  }
0x78: {  	_ =	shalt  }
0x79: {  	_ =	shalt  }
0x7a: {  	_ =	shalt  }
0x7b: {  	_ =	shalt  }
0x7c: {  	_ =	shalt  }
0x7d: {  	_ =	shalt  }
0x7e: {  	_ =	shalt  }
0x7f: {  	_ =	shalt  }
0x80: {  	_ =	shalt  }
0x81: {  	_ =	shalt  }
0x82: {  	_ =	shalt  }
0x83: {  	_ =	shalt  }
0x84: {  	_ =	shalt  }
0x85: {  	_ =	shalt  }
0x86: {  	_ =	shalt  }
0x87: {  	_ =	shalt  }
.Lfunc_end0:
.L_simem_size_0:
called_computation_lowered:
.L_overlay_start_0:
0x88: {  	s2 =	sld [smem:$0x3FD9]  }
0x89: {  	s3 =	sld [smem:$0x3FFE];
	_ =	sdelay $0x1  }
0x8a: {  	s1 =	srdreg.scid  }
0x8b: {  	s0 =	sand.u32 $0x1, s1  }
0x8c: {  	s17 =	sshll.u32 s0, $0xA;
	s2 =	sadd.s32 s3, s2  }
0x8d: {  	s2 =	sadd.s32 s2, s17  }
0x8e: {  	[smem:$0x3FC5] =	sst s2  }
0x8f: {  	_ = 	snop  }
0x90: {  	s2 =	sld [smem:$0x3FC9]  }
0x91: {  	s18 =	sld [smem:$0x3FC8]  }
0x92: {  	s4 =	sld [smem:$0x3FC7];
	(tm) =	ssettm $0x1  }
0x93: {  	s5 =	sld [smem:$0x3FFB];
	_ =	sdelay $0x3  }
0x94: {  	_ =	strace s5  }
0x95: {  	s5 =	sld [smem:$0x3FFC];
	_ =	sdelay $0x3  }
0x96: {  	_ =	strace s5  }
0x97: {  	s5 =	sld [smem:$0x3FFD];
	_ =	sdelay $0x3  }
0x98: {  	_ =	strace s5  }
0x99: {  	_ =	strace $0x8FFFFFFF  }
0x9a: {  	s19 =	sld [smem:$0x3FDB];
	_ =	sdelay $0x1  }
0x9b: {  	s6 =	simm.s32 $_scs_section_size  }
0x9c: {  	s7 =	simm.s32 $_size__tile_overlayer_lowered;
	s8 =	simm.s32 $_tile_overlayer_lowered  }
0x9d: {  	s22 =	simm.s32 $0x1BFF;
	s21 =	sshll.u32 s8, $0x1;
	s5 =	sadd.s32 s6, s19  }
0x9e: {  	s9 =	simm.s32 $0x0;
	s20 =	sshll.u32 s7, $0x1;
	s7 =	sadd.s32 s21, s5  }
0x9f: {  	[timem:s9], [sflag:s22] =	dma.local [hbm:s7], s20  }
0xa0: {  	_ =	swait.ge [sflag:s22], s20  }
0xa1: {  	s6 =	ssub.s32 $0x0, s20;
	[sflag:s22] =	ssyncset.done $0x0  }
0xa2: {  	[sflag:s22] =	ssyncadd.s32 s6;
	_ =	sdelay $0x1  }
0xa3: {  	s23 =	simm.s32 $0x1B8B  }
0xa4: {  	_ =	swait.ge [sflag:s23], $0x1  }
0xa5: {  	[sflag:s23] =	ssyncset.done $0x0  }
0xa6: {  	s25 =	simm.s32 $0x1B8E;
	s24 =	sld [smem:$0x3FFE];
	[sflag:s23] =	ssyncadd.s32 $0xFFFFFFFF  }
0xa7: {  	s26 =	simm.s32 $execute0_lowered;
	[smem:$0x3FD2] =	sst s25  }
0xa8: {  	s7 =	sshll.u32 s26, $0x1;
	_ =	strace $0x80000046;
	[dreg:$0x1] =	wrdreg $0xFFFFFFFF  }
0xa9: {  	s28 =	simm.s32 $_size_execute0_lowered;
	s5 =	sadd.s32 s5, s7;
	[dreg:$0x0] =	wrdreg $0x0  }
0xaa: {  	s7 =	sshll.u32 s28, $0x1;
	[dreg:$0x2] =	wrdreg s5  }
0xab: {  	[dreg:$0x3] =	wrdreg s7  }
0xac: {  	[dreg:$0x4] =	wrdreg $0xC0  }
0xad: {  	_ =	task [dreg:s9], $0x5FFFF  }
0xae: {  	[dreg:$0x1] =	wrdreg $0xFFFFFFFF  }
0xaf: {  	[dreg:$0x0] =	wrdreg $0x60  }
0xb0: {  	[dreg:$0x2] =	wrdreg s2  }
0xb1: {  	[dreg:$0x3] =	wrdreg s18  }
0xb2: {  	[dreg:$0x4] =	wrdreg s4  }
0xb3: {  	[dreg:$0x5] =	wrdreg s24  }
0xb4: {  	[dreg:$0x6] =	wrdreg $0x9  }
0xb5: {  	_ =	task.clear_ibuf [dreg:s9], $0x7FFFF;
	_ =	strace $0x90000046  }
0xb6: {  	s29 =	simm.s32 $0x9;
	_ =	strace $0x80000048  }
0xb7: {  	_ =	swait.ge [sflag:s29], $0x1  }
0xb8: {  	[sflag:s29] =	ssyncadd.s32 $0xFFFFFFFF  }
0xb9: {  	_ =	strace $0x90000048  }
0xba: {  	_ =	sfence  }
0xbb: {  	s30 =	sld [smem:$0x0];
	_ =	sdelay $0x2  }
0xbc: {  	s31 =	sshll.u32 s1, $0xD;
	s1 =	sshrl.u32 s1, $0x2  }
0xbd: {  	s3 =	sand.u32 $0x4000, s31;
	s1 =	sadd.s32 s1, s30  }
0xbe: {  	s0 =	sor.u32 s3, s0;
	s1 =	sshll.u32 s1, $0x11  }
0xbf: {  	s0 =	sor.u32 s1, s0  }
0xc0: {  	s0 =	sadd.s32 $0x8F2B, s0  }
0xc1: {  	[sflag:s0] =	ssyncadd.remote.s32 $0x1  }
0xc2: {  	_ =	sfence.sel $0xFFFF  }
0xc3: {  	[dreg:$0x0] =	wrdreg $0xFFFFFFFF;
	(pc) =	sbr.abs _section_cstart, $3  }
0xc4: {  	[dreg:$0x1] =	wrdreg $0xFFFFFFFF  }
0xc5: {  	_ =	task.clear_ibuf [dreg:s9], $0x2FFFF;
	_ =	strace $0x9FFFFFFF  }
0xc6: {  	(tm) =	ssettm $0x7FFFFFFF  }
0xc7: {  	_ =	shalt  }
tec
execute0_lowered:
.L_overlay_start_1:
0x0: {  	(tag) =	ssettag $0x1  }
0x1: {  	s8 =	rddreg [dreg:$0x0]  }
0x2: {  	s1 =	rddreg [dreg:$0x1]  }
0x3: {  	s7 =	rddreg [dreg:$0x2]  }
0x4: {  	s9 =	rddreg [dreg:$0x3]  }
0x5: {  	s0 =	rddreg [dreg:$0x4];
	s3 =	simm.s32 $0x0;
	s4 =	srdreg.scid  }
0x6: {  	s2 =	stileid.u32;
	s15 =	simm.s32 $0x1;
	s16 =	simm.s32 $0x2  }
0x7: {  	s17 =	simm.s32 $0x3;
	s18 =	simm.s32 $0x1E700;
	s19 =	simm.s32 $0x4  }
0x8: {  	s20 =	simm.s32 $0x0;
	[smem:$0x7FF] =	sst s3;
	s4 =	sand.u32 $0x1, s4  }
0x9: {  	s10 =	sshrl.u32 s2, $0x2;
	s6 =	sshll.u32 s2, $0x8;
	s5 =	ssub.s32 $0x2, s4  }
0xa: {  	s4 =	sshll.u32 s4, $0x7;
	s6 =	sand.u32 $0x300, s6;
	s11 =	smul.u32 $0xC3800, s10  }
0xb: {  	_ =	strace $0x80000047;
	s30 =	sshll.u32 s10, $0x11;
	s31 =	sor.u32 $0x4, s10  }
0xc: {  	s10 =	sshll.u32 s10, $0xA;
	s12 =	sshrl.u32 s5, $0x1;
	s13 =	sor.u32 s4, s6  }
0xd: {  	s14 =	smul.u32 $0xC3800, s31;
	s6 =	sadd.s32 $0x400, s1;
	s12 =	ssub.s32 s5, s12  }
0xe: {  	s4 =	sor.u32 s11, s13;
	s5 =	sor.u32 s30, s13;
	s11 =	sshll.u32 s31, $0x11  }
0xf: {  	s10 =	sor.u32 s10, s13;
	s4 =	sshrl.u32 s4, $0x3;
	s5 =	sshrl.u32 s5, $0x3  }
0x10: {  	s14 =	sor.u32 s13, s14;
	s11 =	sor.u32 s13, s11;
	s10 =	sshrl.u32 s10, $0x3  }
0x11: {  	s13 =	simm.s32 $0x18700;
	s4 =	sadd.s32 s7, s4;
	s5 =	sadd.s32 s8, s5  }
0x12: {  	s14 =	sshrl.u32 s14, $0x3;
	s11 =	sshrl.u32 s11, $0x3;
	s9 =	sadd.s32 s9, s10  }
0x13: {  	s10 =	smax.u32 s12, $0x1;
	s12 =	simm.s32 $0x400;
	s7 =	sadd.s32 s7, s14  }
0x14: {  	s8 =	sadd.s32 s8, s11;
	s11 =	simm.s32 $0x80;
	s14 =	simm.s32 $0x1C700  }
.LBB2_1:
0x15: {  	[tilespmem:s3], [sflag:$0x1] =	stream.strided.gather [hbm4b:s4+s11], $0x18700, s12, s11, $0x38;
	[tilespmem:$0x1E780] =	vst v63  }
0x16: {  	_ = 	snop  }
0x17: {  	[tilespmem:s13], [sflag:$0x2] =	stream.strided.gather [hbm4b:s5+s11], $0x4000, s12, s11, $0x38;
	[tilespmem:$0x1E780] =	vst v63  }
0x18: {  	_ = 	snop  }
0x19: {  	[tilespmem:s14], [sflag:$0x3] =	stream.linear.gather [hbm4b:s1+s3], $0x2000, $0x38;
	[tilespmem:$0x1E780] =	vst v63  }
0x1a: {  	_ =	swait.ge [sflag:s15], $0x18700  }
0x1b: {  	[sflag:s15] =	ssyncset.done $0x0  }
0x1c: {  	[sflag:s15] =	ssyncadd.s32 $0xFFFE7900  }
0x1d: {  	_ =	swait.ge [sflag:s16], $0x4000  }
0x1e: {  	[sflag:s16] =	ssyncset.done $0x0  }
0x1f: {  	[sflag:s16] =	ssyncadd.s32 $0xFFFFC000  }
0x20: {  	_ =	swait.ge [sflag:s17], $0x2000  }
0x21: {  	[sflag:s17] =	ssyncset.done $0x0  }
0x22: {  	s23 =	simm.s32 $0x0;
	[sflag:s17] =	ssyncadd.s32 $0xFFFFE000  }
0x23: {  	v0 =	vld [tilespmem:s23+$0x1C700]  }
0x24: {  	v2 =	vld [tilespmem:s23+$0x1C770]  }
0x25: {  	v1 =	vld [tilespmem:s23+$0x1C710]  }
0x26: {  	v4 =	vld [tilespmem:s23+$0x1C760]  }
0x27: {  	v3 =	vld [tilespmem:s23+$0x1C720]  }
0x28: {  	v5 =	vld [tilespmem:s23+$0x1C750]  }
0x29: {  	v6 =	vld [tilespmem:s23+$0x1C730]  }
0x2a: {  	v7 =	vld [tilespmem:s23+$0x1C740]  }
0x2b: {  	v8 =	vld [tilespmem:s23+$0x18700]  }
0x2c: {  	v0 =	vld.idx.msk [tilespmem:v0+s3+$0x0], $0xffff  }
0x2d: {  	v9 =	vld [tilespmem:s23+$0x18710]  }
0x2e: {  	v1 =	vld.idx.msk [tilespmem:v1+s3+$0x0], $0xffff  }
0x2f: {  	v10 =	vld [tilespmem:s23+$0x18720]  }
0x30: {  	v3 =	vld.idx.msk [tilespmem:v3+s3+$0x0], $0xffff  }
0x31: {  	v6 =	vld.idx.msk [tilespmem:v6+s3+$0x0], $0xffff;
	v0 =	vsub.f32 v8, v0  }
0x32: {  	v8 =	vld [tilespmem:s23+$0x18730]  }
0x33: {  	v11 =	vld.idx.msk [tilespmem:v7+s3+$0x0], $0xffff;
	v1 =	vsub.f32 v9, v1;
	v7 =	vmul.f32 v0, v0  }
0x34: {  	v12 =	vimm.f32 $0.0e+00;
	v9 =	vld [tilespmem:s23+$0x18740]  }
0x35: {  	v10 =	vsub.f32 v10, v3;
	v0 =	vld.idx.msk [tilespmem:v5+s3+$0x0], $0xffff;
	v5 =	vadd.f32 v7, v12;
	v7 =	vmul.f32 v1, v1  }
0x36: {  	v3 =	vld [tilespmem:s23+$0x18750]  }
0x37: {  	v1 =	vld.idx.msk [tilespmem:v4+s3+$0x0], $0xffff;
	v8 =	vsub.f32 v8, v6;
	v5 =	vadd.f32 v7, v5;
	v7 =	vmul.f32 v10, v10  }
0x38: {  	v4 =	vld [tilespmem:s23+$0x18760]  }
0x39: {  	v2 =	vld.idx.msk [tilespmem:v2+s3+$0x0], $0xffff;
	v6 =	vadd.f32 v7, v5;
	v7 =	vmul.f32 v8, v8;
	v8 =	vsub.f32 v9, v11  }
0x3a: {  	s21 =	simm.s32 $0x80;
	s22 =	simm.s32 $0x400;
	v5 =	vld [tilespmem:s23+$0x18770]  }
.LBB2_2:
0x3b: {  	p0 =	sne.s32 s22, $0x7E00;
	v9 =	vld [tilespmem:s21+$0x1C700];
	v6 =	vadd.f32 v7, v6;
	v7 =	vmul.f32 v8, v8;
	v0 =	vsub.f32 v3, v0  }
0x3c: {  	v10 =	vld [tilespmem:s21+$0x1C770]  }
0x3d: {  	v3 =	vld [tilespmem:s21+$0x1C710];
	v6 =	vadd.f32 v7, v6;
	v0 =	vmul.f32 v0, v0;
	v1 =	vsub.f32 v4, v1  }
0x3e: {  	v4 =	vld [tilespmem:s21+$0x1C760]  }
0x3f: {  	v7 =	vld [tilespmem:s21+$0x1C720];
	v0 =	vadd.f32 v0, v6;
	v1 =	vmul.f32 v1, v1;
	v2 =	vsub.f32 v5, v2  }
0x40: {  	v5 =	vld [tilespmem:s21+$0x1C750]  }
0x41: {  	v6 =	vld [tilespmem:s21+$0x1C730];
	v0 =	vadd.f32 v1, v0;
	v1 =	vmul.f32 v2, v2  }
0x42: {  	v2 =	vld [tilespmem:s21+$0x1C740]  }
0x43: {  	v8 =	vld.idx.msk [tilespmem:v9+s3+$0x0], $0xffff;
	v0 =	vadd.f32 v1, v0  }
0x44: {  	v1 =	vld [tilespmem:s21+$0x18700]  }
0x45: {  	v3 =	vld.idx.msk [tilespmem:v3+s3+$0x0], $0xffff  }
0x46: {  	v9 =	vld [tilespmem:s21+$0x18710]  }
0x47: {  	v7 =	vld.idx.msk [tilespmem:v7+s3+$0x0], $0xffff  }
0x48: {  	v11 =	vld [tilespmem:s21+$0x18720]  }
0x49: {  	v1 =	vsub.f32 v1, v8;
	v6 =	vld.idx.msk [tilespmem:v6+s3+$0x0], $0xffff  }
0x4a: {  	v8 =	vld [tilespmem:s21+$0x18730]  }
0x4b: {  	v1 =	vmul.f32 v1, v1;
	v3 =	vsub.f32 v9, v3;
	v2 =	vld.idx.msk [tilespmem:v2+s3+$0x0], $0xffff  }
0x4c: {  	v9 =	vld [tilespmem:s21+$0x18740]  }
0x4d: {  	v1 =	vadd.f32 v1, v0;
	v12 =	vmul.f32 v3, v3;
	v7 =	vsub.f32 v11, v7;
	v0 =	vld.idx.msk [tilespmem:v5+s3+$0x0], $0xffff  }
.Ltmp0:
0x4e: {  	v3 =	vld [tilespmem:s21+$0x18750];
	(pc) =	sbr.rel @p0 .LBB2_2-.Ltmp0, $4  }
0x4f: {  	v5 =	vadd.f32 v12, v1;
	v7 =	vmul.f32 v7, v7;
	v8 =	vsub.f32 v8, v6;
	v1 =	vld.idx.msk [tilespmem:v4+s3+$0x0], $0xffff  }
0x50: {  	v4 =	vld [tilespmem:s21+$0x18760]  }
0x51: {  	v6 =	vadd.f32 v7, v5;
	v7 =	vmul.f32 v8, v8;
	v8 =	vsub.f32 v9, v2;
	v2 =	vld.idx.msk [tilespmem:v10+s3+$0x0], $0xffff  }
0x52: {  	v5 =	vld [tilespmem:s21+$0x18770];
	s21 =	sshra.s32 s22, $0x2;
	s22 =	sadd.s32 $0x200, s22  }
0x53: {  	v9 =	vld [tilespmem:s21+$0x1C700]  }
0x54: {  	v10 =	vld [tilespmem:s21+$0x1C770]  }
0x55: {  	v11 =	vld [tilespmem:s21+$0x1C710]  }
0x56: {  	v12 =	vld [tilespmem:s21+$0x1C760]  }
0x57: {  	v13 =	vld [tilespmem:s21+$0x1C720]  }
0x58: {  	v14 =	vld [tilespmem:s21+$0x1C750]  }
0x59: {  	v15 =	vld [tilespmem:s21+$0x1C730]  }
0x5a: {  	v16 =	vld [tilespmem:s21+$0x1C740]  }
0x5b: {  	v17 =	vld [tilespmem:s21+$0x18700]  }
0x5c: {  	v18 =	vld [tilespmem:s21+$0x18710]  }
0x5d: {  	v19 =	vld [tilespmem:s21+$0x18720]  }
0x5e: {  	v20 =	vld [tilespmem:s21+$0x18730]  }
0x5f: {  	v21 =	vld [tilespmem:s21+$0x18740]  }
0x60: {  	v22 =	vld [tilespmem:s21+$0x18750]  }
0x61: {  	v0 =	vsub.f32 v3, v0;
	v3 =	vld [tilespmem:s21+$0x18760]  }
0x62: {  	v1 =	vsub.f32 v4, v1;
	v4 =	vld [tilespmem:s21+$0x18770]  }
0x63: {  	v9 =	vld.idx.msk [tilespmem:v9+s3+$0x0], $0xffff  }
0x64: {  	v11 =	vld.idx.msk [tilespmem:v11+s3+$0x0], $0xffff  }
0x65: {  	v13 =	vld.idx.msk [tilespmem:v13+s3+$0x0], $0xffff  }
0x66: {  	v6 =	vadd.f32 v7, v6;
	v7 =	vmul.f32 v8, v8;
	v15 =	vld.idx.msk [tilespmem:v15+s3+$0x0], $0xffff  }
0x67: {  	v16 =	vld.idx.msk [tilespmem:v16+s3+$0x0], $0xffff  }
0x68: {  	v6 =	vadd.f32 v7, v6;
	v0 =	vmul.f32 v0, v0;
	v14 =	vld.idx.msk [tilespmem:v14+s3+$0x0], $0xffff  }
0x69: {  	s31 =	simm.s32 $0x0;
	v12 =	vld.idx.msk [tilespmem:v12+s3+$0x0], $0xffff  }
0x6a: {  	v0 =	vadd.f32 v0, v6;
	v2 =	vsub.f32 v5, v2;
	v1 =	vmul.f32 v1, v1;
	v8 =	vld.idx.msk [tilespmem:v10+s3+$0x0], $0xffff;
	[tilespmem:s14], [sflag:$0x3] =	stream.linear.gather [hbm4b:s6+s31], $0x2000, $0x38  }
0x6b: {  	_ =	swait.ge [sflag:s17], $0x2000  }
0x6c: {  	v0 =	vadd.f32 v1, v0;
	v1 =	vmul.f32 v2, v2;
	[sflag:s17] =	ssyncset.done $0x0;
	v2 =	vsub.f32 v17, v9  }
0x6d: {  	s23 =	simm.s32 $0x0;
	[sflag:s17] =	ssyncadd.s32 $0xFFFFE000  }
0x6e: {  	v0 =	vadd.f32 v1, v0;
	v5 =	vld [tilespmem:s23+$0x1C700];
	v1 =	vmul.f32 v2, v2;
	v2 =	vsub.f32 v18, v11  }
0x6f: {  	v6 =	vld [tilespmem:s23+$0x1C770]  }
0x70: {  	v7 =	vld [tilespmem:s23+$0x1C710];
	v0 =	vadd.f32 v1, v0;
	v1 =	vmul.f32 v2, v2;
	v2 =	vsub.f32 v19, v13  }
0x71: {  	v10 =	vld [tilespmem:s23+$0x1C720]  }
0x72: {  	v60 =	vld [tilespmem:s23+$0x1C730];
	v0 =	vadd.f32 v1, v0;
	v1 =	vmul.f32 v2, v2;
	v2 =	vsub.f32 v20, v15  }
0x73: {  	v61 =	vld [tilespmem:s23+$0x1C740]  }
0x74: {  	v62 =	vld [tilespmem:s23+$0x1A700];
	v0 =	vadd.f32 v1, v0;
	v1 =	vmul.f32 v2, v2;
	v2 =	vsub.f32 v21, v16  }
0x75: {  	v9 =	vld [tilespmem:s23+$0x1C760]  }
0x76: {  	v11 =	vld [tilespmem:s23+$0x1C750];
	v0 =	vadd.f32 v1, v0;
	v1 =	vmul.f32 v2, v2;
	v2 =	vsub.f32 v22, v14  }
0x77: {  	v5 =	vld.idx.msk [tilespmem:v5+s3+$0x0], $0xffff  }
0x78: {  	v7 =	vld.idx.msk [tilespmem:v7+s3+$0x0], $0xffff;
	v0 =	vadd.f32 v1, v0;
	v1 =	vmul.f32 v2, v2;
	v2 =	vsub.f32 v3, v12  }
0x79: {  	v3 =	vld [tilespmem:s23+$0x1A710]  }
0x7a: {  	v10 =	vld.idx.msk [tilespmem:v10+s3+$0x0], $0xffff;
	v0 =	vadd.f32 v1, v0;
	v1 =	vmul.f32 v2, v2;
	v2 =	vsub.f32 v4, v8  }
0x7b: {  	v4 =	vld [tilespmem:s23+$0x1A720]  }
0x7c: {  	v8 =	vld.idx.msk [tilespmem:v60+s3+$0x0], $0xffff;
	v0 =	vadd.f32 v1, v0;
	v1 =	vmul.f32 v2, v2;
	v2 =	vsub.f32 v62, v5  }
0x7d: {  	v5 =	vld [tilespmem:s23+$0x1A730]  }
0x7e: {  	v63 =	vld.idx.msk [tilespmem:v61+s3+$0x0], $0xffff;
	v3 =	vsub.f32 v3, v7;
	v1 =	vadd.f32 v1, v0;
	v2 =	vmul.f32 v2, v2  }
0x7f: {  	v7 =	vld [tilespmem:s23+$0x1A740]  }
0x80: {  	v0 =	vld.idx.msk [tilespmem:v11+s3+$0x0], $0xffff;
	v11 =	vmul.f32 v3, v3;
	v4 =	vsub.f32 v4, v10;
	v2 =	vadd.f32 v2, v1  }
0x81: {  	v3 =	vld [tilespmem:s23+$0x1A750]  }
0x82: {  	v1 =	vld.idx.msk [tilespmem:v9+s3+$0x0], $0xffff;
	v10 =	vmul.f32 v4, v4;
	v5 =	vsub.f32 v5, v8;
	v9 =	vadd.f32 v11, v2  }
0x83: {  	v4 =	vld [tilespmem:s23+$0x1A760]  }
0x84: {  	v2 =	vld.idx.msk [tilespmem:v6+s3+$0x0], $0xffff;
	v7 =	vsub.f32 v7, v63;
	v8 =	vmul.f32 v5, v5;
	v6 =	vadd.f32 v10, v9  }
0x85: {  	s22 =	simm.s32 $0x400;
	s21 =	simm.s32 $0x80;
	v5 =	vld [tilespmem:s23+$0x1A770]  }
.LBB2_4:
0x86: {  	p0 =	sne.s32 s22, $0x7E00;
	v9 =	vld [tilespmem:s21+$0x1C700];
	v6 =	vadd.f32 v8, v6;
	v7 =	vmul.f32 v7, v7;
	v0 =	vsub.f32 v3, v0  }
0x87: {  	v10 =	vld [tilespmem:s21+$0x1C770]  }
0x88: {  	v3 =	vld [tilespmem:s21+$0x1C710];
	v6 =	vadd.f32 v7, v6;
	v0 =	vmul.f32 v0, v0;
	v1 =	vsub.f32 v4, v1  }
0x89: {  	v4 =	vld [tilespmem:s21+$0x1C760]  }
0x8a: {  	v7 =	vld [tilespmem:s21+$0x1C720];
	v0 =	vadd.f32 v0, v6;
	v1 =	vmul.f32 v1, v1;
	v2 =	vsub.f32 v5, v2  }
0x8b: {  	v5 =	vld [tilespmem:s21+$0x1C750]  }
0x8c: {  	v6 =	vld [tilespmem:s21+$0x1C730];
	v0 =	vadd.f32 v1, v0;
	v1 =	vmul.f32 v2, v2  }
0x8d: {  	v2 =	vld [tilespmem:s21+$0x1C740]  }
0x8e: {  	v8 =	vld.idx.msk [tilespmem:v9+s3+$0x0], $0xffff;
	v0 =	vadd.f32 v1, v0  }
0x8f: {  	v1 =	vld [tilespmem:s21+$0x1A700]  }
0x90: {  	v3 =	vld.idx.msk [tilespmem:v3+s3+$0x0], $0xffff  }
0x91: {  	v9 =	vld [tilespmem:s21+$0x1A710]  }
0x92: {  	v7 =	vld.idx.msk [tilespmem:v7+s3+$0x0], $0xffff  }
0x93: {  	v11 =	vld [tilespmem:s21+$0x1A720]  }
0x94: {  	v1 =	vsub.f32 v1, v8;
	v6 =	vld.idx.msk [tilespmem:v6+s3+$0x0], $0xffff  }
0x95: {  	v8 =	vld [tilespmem:s21+$0x1A730]  }
0x96: {  	v1 =	vmul.f32 v1, v1;
	v3 =	vsub.f32 v9, v3;
	v2 =	vld.idx.msk [tilespmem:v2+s3+$0x0], $0xffff  }
0x97: {  	v9 =	vld [tilespmem:s21+$0x1A740]  }
0x98: {  	v1 =	vadd.f32 v1, v0;
	v12 =	vmul.f32 v3, v3;
	v7 =	vsub.f32 v11, v7;
	v0 =	vld.idx.msk [tilespmem:v5+s3+$0x0], $0xffff  }
.Ltmp1:
0x99: {  	v3 =	vld [tilespmem:s21+$0x1A750];
	(pc) =	sbr.rel @p0 .LBB2_4-.Ltmp1, $4  }
0x9a: {  	v5 =	vadd.f32 v12, v1;
	v7 =	vmul.f32 v7, v7;
	v8 =	vsub.f32 v8, v6;
	v1 =	vld.idx.msk [tilespmem:v4+s3+$0x0], $0xffff  }
0x9b: {  	v4 =	vld [tilespmem:s21+$0x1A760]  }
0x9c: {  	v6 =	vadd.f32 v7, v5;
	v8 =	vmul.f32 v8, v8;
	v7 =	vsub.f32 v9, v2;
	v2 =	vld.idx.msk [tilespmem:v10+s3+$0x0], $0xffff  }
0x9d: {  	v5 =	vld [tilespmem:s21+$0x1A770];
	s21 =	sshra.s32 s22, $0x2;
	s22 =	sadd.s32 $0x200, s22  }
0x9e: {  	v9 =	vld [tilespmem:s21+$0x1C700]  }
0x9f: {  	v10 =	vld [tilespmem:s21+$0x1C770]  }
0xa0: {  	v11 =	vld [tilespmem:s21+$0x1C710]  }
0xa1: {  	v12 =	vld [tilespmem:s21+$0x1C760]  }
0xa2: {  	v13 =	vld [tilespmem:s21+$0x1C720]  }
0xa3: {  	v14 =	vld [tilespmem:s21+$0x1C750]  }
0xa4: {  	v15 =	vld [tilespmem:s21+$0x1C730]  }
0xa5: {  	v16 =	vld [tilespmem:s21+$0x1C740]  }
0xa6: {  	v17 =	vld [tilespmem:s21+$0x1A700]  }
0xa7: {  	v18 =	vld [tilespmem:s21+$0x1A710]  }
0xa8: {  	v19 =	vld [tilespmem:s21+$0x1A720]  }
0xa9: {  	v20 =	vld [tilespmem:s21+$0x1A730]  }
0xaa: {  	v21 =	vld [tilespmem:s21+$0x1A740]  }
0xab: {  	v22 =	vld [tilespmem:s21+$0x1A750]  }
0xac: {  	v23 =	vld [tilespmem:s21+$0x1A760]  }
0xad: {  	v24 =	vld [tilespmem:s21+$0x1A770]  }
0xae: {  	v9 =	vld.idx.msk [tilespmem:v9+s3+$0x0], $0xffff  }
0xaf: {  	v11 =	vld.idx.msk [tilespmem:v11+s3+$0x0], $0xffff  }
0xb0: {  	v13 =	vld.idx.msk [tilespmem:v13+s3+$0x0], $0xffff  }
0xb1: {  	v15 =	vld.idx.msk [tilespmem:v15+s3+$0x0], $0xffff  }
0xb2: {  	v16 =	vld.idx.msk [tilespmem:v16+s3+$0x0], $0xffff  }
0xb3: {  	v14 =	vld.idx.msk [tilespmem:v14+s3+$0x0], $0xffff  }
0xb4: {  	s31 =	simm.s32 $0x0;
	v12 =	vld.idx.msk [tilespmem:v12+s3+$0x0], $0xffff  }
0xb5: {  	v10 =	vld.idx.msk [tilespmem:v10+s3+$0x0], $0xffff;
	[tilespmem:s31], [sflag:$0x1] =	stream.strided.gather [hbm4b:s7+s11], $0x18700, s12, s11, $0x38  }
0xb6: {  	_ = 	snop  }
0xb7: {  	[tilespmem:s13], [sflag:$0x2] =	stream.strided.gather [hbm4b:s8+s11], $0x4000, s12, s11, $0x38;
	[tilespmem:$0x1E780] =	vst v63  }
0xb8: {  	_ = 	snop  }
0xb9: {  	[tilespmem:s14], [sflag:$0x3] =	stream.linear.gather [hbm4b:s1+s31], $0x2000, $0x38;
	[tilespmem:$0x1E780] =	vst v63  }
0xba: {  	_ =	swait.ge [sflag:s15], $0x18700  }
0xbb: {  	v6 =	vadd.f32 v8, v6;
	v0 =	vsub.f32 v3, v0;
	v3 =	vmul.f32 v7, v7;
	[sflag:s15] =	ssyncset.done $0x0  }
0xbc: {  	[sflag:s15] =	ssyncadd.s32 $0xFFFE7900  }
0xbd: {  	v3 =	vadd.f32 v3, v6;
	v1 =	vsub.f32 v4, v1;
	v0 =	vmul.f32 v0, v0;
	_ =	swait.ge [sflag:s16], $0x4000  }
0xbe: {  	[sflag:s16] =	ssyncset.done $0x0  }
0xbf: {  	v0 =	vadd.f32 v0, v3;
	v2 =	vsub.f32 v5, v2;
	v1 =	vmul.f32 v1, v1;
	[sflag:s16] =	ssyncadd.s32 $0xFFFFC000  }
0xc0: {  	_ =	swait.ge [sflag:s17], $0x2000  }
0xc1: {  	v0 =	vadd.f32 v1, v0;
	v1 =	vmul.f32 v2, v2;
	v2 =	vsub.f32 v17, v9;
	[sflag:s17] =	ssyncset.done $0x0  }
0xc2: {  	s23 =	simm.s32 $0x0;
	[sflag:s17] =	ssyncadd.s32 $0xFFFFE000  }
0xc3: {  	v0 =	vadd.f32 v1, v0;
	v1 =	vmul.f32 v2, v2;
	v2 =	vsub.f32 v18, v11;
	v3 =	vld [tilespmem:s23+$0x1C700]  }
0xc4: {  	v5 =	vld [tilespmem:s23+$0x1C770]  }
0xc5: {  	v0 =	vadd.f32 v1, v0;
	v1 =	vmul.f32 v2, v2;
	v2 =	vsub.f32 v19, v13;
	v4 =	vld [tilespmem:s23+$0x1C710]  }
0xc6: {  	v6 =	vld [tilespmem:s23+$0x1C760]  }
0xc7: {  	v0 =	vadd.f32 v1, v0;
	v1 =	vmul.f32 v2, v2;
	v2 =	vsub.f32 v20, v15;
	v7 =	vld [tilespmem:s23+$0x1C720]  }
0xc8: {  	v8 =	vld [tilespmem:s23+$0x1C750]  }
0xc9: {  	v0 =	vadd.f32 v1, v0;
	v1 =	vmul.f32 v2, v2;
	v2 =	vsub.f32 v21, v16;
	v9 =	vld [tilespmem:s23+$0x1C730]  }
0xca: {  	v11 =	vld [tilespmem:s23+$0x1C740]  }
0xcb: {  	v60 =	vld [tilespmem:s23+$0x18700];
	v0 =	vadd.f32 v1, v0;
	v1 =	vmul.f32 v2, v2;
	v2 =	vsub.f32 v22, v14  }
0xcc: {  	v3 =	vld.idx.msk [tilespmem:v3+s3+$0x0], $0xffff  }
0xcd: {  	v61 =	vld [tilespmem:s23+$0x18710];
	v0 =	vadd.f32 v1, v0;
	v1 =	vmul.f32 v2, v2;
	v2 =	vsub.f32 v23, v12  }
0xce: {  	v4 =	vld.idx.msk [tilespmem:v4+s3+$0x0], $0xffff  }
0xcf: {  	v0 =	vadd.f32 v1, v0;
	v1 =	vmul.f32 v2, v2;
	v2 =	vsub.f32 v24, v10;
	v10 =	vld [tilespmem:s23+$0x18720]  }
0xd0: {  	v7 =	vld.idx.msk [tilespmem:v7+s3+$0x0], $0xffff  }
0xd1: {  	v62 =	vld [tilespmem:s23+$0x18730];
	v0 =	vadd.f32 v1, v0;
	v1 =	vmul.f32 v2, v2;
	v2 =	vsub.f32 v60, v3  }
0xd2: {  	v9 =	vld.idx.msk [tilespmem:v9+s3+$0x0], $0xffff  }
0xd3: {  	v63 =	vld [tilespmem:s23+$0x18740];
	v1 =	vadd.f32 v1, v0;
	v3 =	vsub.f32 v61, v4;
	v2 =	vmul.f32 v2, v2  }
0xd4: {  	v11 =	vld.idx.msk [tilespmem:v11+s3+$0x0], $0xffff  }
0xd5: {  	v0 =	vld.idx.msk [tilespmem:v8+s3+$0x0], $0xffff;
	v7 =	vsub.f32 v10, v7;
	v4 =	vmul.f32 v3, v3;
	v2 =	vadd.f32 v2, v1  }
0xd6: {  	v3 =	vld [tilespmem:s23+$0x18750]  }
0xd7: {  	v8 =	vsub.f32 v62, v9;
	v7 =	vmul.f32 v7, v7;
	v1 =	vld.idx.msk [tilespmem:v6+s3+$0x0], $0xffff;
	v6 =	vadd.f32 v4, v2  }
0xd8: {  	v4 =	vld [tilespmem:s23+$0x18760]  }
0xd9: {  	v2 =	vld.idx.msk [tilespmem:v5+s3+$0x0], $0xffff;
	v6 =	vadd.f32 v7, v6;
	v7 =	vmul.f32 v8, v8;
	v8 =	vsub.f32 v63, v11  }
0xda: {  	s21 =	simm.s32 $0x80;
	s22 =	simm.s32 $0x400;
	v5 =	vld [tilespmem:s23+$0x18770]  }
.LBB2_6:
0xdb: {  	p0 =	sne.s32 s22, $0x7E00;
	v9 =	vld [tilespmem:s21+$0x1C700];
	v6 =	vadd.f32 v7, v6;
	v7 =	vmul.f32 v8, v8;
	v0 =	vsub.f32 v3, v0  }
0xdc: {  	v10 =	vld [tilespmem:s21+$0x1C770]  }
0xdd: {  	v3 =	vld [tilespmem:s21+$0x1C710];
	v6 =	vadd.f32 v7, v6;
	v0 =	vmul.f32 v0, v0;
	v1 =	vsub.f32 v4, v1  }
0xde: {  	v4 =	vld [tilespmem:s21+$0x1C760]  }
0xdf: {  	v7 =	vld [tilespmem:s21+$0x1C720];
	v0 =	vadd.f32 v0, v6;
	v1 =	vmul.f32 v1, v1;
	v2 =	vsub.f32 v5, v2  }
0xe0: {  	v5 =	vld [tilespmem:s21+$0x1C750]  }
0xe1: {  	v6 =	vld [tilespmem:s21+$0x1C730];
	v0 =	vadd.f32 v1, v0;
	v1 =	vmul.f32 v2, v2  }
0xe2: {  	v2 =	vld [tilespmem:s21+$0x1C740]  }
0xe3: {  	v8 =	vld.idx.msk [tilespmem:v9+s3+$0x0], $0xffff;
	v0 =	vadd.f32 v1, v0  }
0xe4: {  	v1 =	vld [tilespmem:s21+$0x18700]  }
0xe5: {  	v3 =	vld.idx.msk [tilespmem:v3+s3+$0x0], $0xffff  }
0xe6: {  	v9 =	vld [tilespmem:s21+$0x18710]  }
0xe7: {  	v7 =	vld.idx.msk [tilespmem:v7+s3+$0x0], $0xffff  }
0xe8: {  	v11 =	vld [tilespmem:s21+$0x18720]  }
0xe9: {  	v1 =	vsub.f32 v1, v8;
	v6 =	vld.idx.msk [tilespmem:v6+s3+$0x0], $0xffff  }
0xea: {  	v8 =	vld [tilespmem:s21+$0x18730]  }
0xeb: {  	v1 =	vmul.f32 v1, v1;
	v3 =	vsub.f32 v9, v3;
	v2 =	vld.idx.msk [tilespmem:v2+s3+$0x0], $0xffff  }
0xec: {  	v9 =	vld [tilespmem:s21+$0x18740]  }
0xed: {  	v1 =	vadd.f32 v1, v0;
	v12 =	vmul.f32 v3, v3;
	v7 =	vsub.f32 v11, v7;
	v0 =	vld.idx.msk [tilespmem:v5+s3+$0x0], $0xffff  }
.Ltmp2:
0xee: {  	v3 =	vld [tilespmem:s21+$0x18750];
	(pc) =	sbr.rel @p0 .LBB2_6-.Ltmp2, $4  }
0xef: {  	v5 =	vadd.f32 v12, v1;
	v7 =	vmul.f32 v7, v7;
	v8 =	vsub.f32 v8, v6;
	v1 =	vld.idx.msk [tilespmem:v4+s3+$0x0], $0xffff  }
0xf0: {  	v4 =	vld [tilespmem:s21+$0x18760]  }
0xf1: {  	v6 =	vadd.f32 v7, v5;
	v7 =	vmul.f32 v8, v8;
	v8 =	vsub.f32 v9, v2;
	v2 =	vld.idx.msk [tilespmem:v10+s3+$0x0], $0xffff  }
0xf2: {  	v5 =	vld [tilespmem:s21+$0x18770];
	s21 =	sshra.s32 s22, $0x2;
	s22 =	sadd.s32 $0x200, s22  }
0xf3: {  	v9 =	vld [tilespmem:s21+$0x1C700]  }
0xf4: {  	v10 =	vld [tilespmem:s21+$0x1C770]  }
0xf5: {  	v11 =	vld [tilespmem:s21+$0x1C710]  }
0xf6: {  	v12 =	vld [tilespmem:s21+$0x1C760]  }
0xf7: {  	v13 =	vld [tilespmem:s21+$0x1C720]  }
0xf8: {  	v14 =	vld [tilespmem:s21+$0x1C750]  }
0xf9: {  	v15 =	vld [tilespmem:s21+$0x1C730]  }
0xfa: {  	v16 =	vld [tilespmem:s21+$0x1C740]  }
0xfb: {  	v17 =	vld [tilespmem:s21+$0x18700]  }
0xfc: {  	v18 =	vld [tilespmem:s21+$0x18710]  }
0xfd: {  	v19 =	vld [tilespmem:s21+$0x18720]  }
0xfe: {  	v20 =	vld [tilespmem:s21+$0x18730]  }
0xff: {  	v21 =	vld [tilespmem:s21+$0x18740]  }
0x100: {  	v22 =	vld [tilespmem:s21+$0x18750]  }
0x101: {  	v0 =	vsub.f32 v3, v0;
	v3 =	vld [tilespmem:s21+$0x18760]  }
0x102: {  	v1 =	vsub.f32 v4, v1;
	v4 =	vld [tilespmem:s21+$0x18770]  }
0x103: {  	v9 =	vld.idx.msk [tilespmem:v9+s3+$0x0], $0xffff  }
0x104: {  	v11 =	vld.idx.msk [tilespmem:v11+s3+$0x0], $0xffff  }
0x105: {  	v13 =	vld.idx.msk [tilespmem:v13+s3+$0x0], $0xffff  }
0x106: {  	v6 =	vadd.f32 v7, v6;
	v7 =	vmul.f32 v8, v8;
	v15 =	vld.idx.msk [tilespmem:v15+s3+$0x0], $0xffff  }
0x107: {  	v16 =	vld.idx.msk [tilespmem:v16+s3+$0x0], $0xffff  }
0x108: {  	v6 =	vadd.f32 v7, v6;
	v0 =	vmul.f32 v0, v0;
	v14 =	vld.idx.msk [tilespmem:v14+s3+$0x0], $0xffff  }
0x109: {  	s31 =	simm.s32 $0x0;
	v12 =	vld.idx.msk [tilespmem:v12+s3+$0x0], $0xffff  }
0x10a: {  	v0 =	vadd.f32 v0, v6;
	v2 =	vsub.f32 v5, v2;
	v1 =	vmul.f32 v1, v1;
	v8 =	vld.idx.msk [tilespmem:v10+s3+$0x0], $0xffff;
	[tilespmem:s14], [sflag:$0x3] =	stream.linear.gather [hbm4b:s6+s31], $0x2000, $0x38  }
0x10b: {  	_ =	swait.ge [sflag:s17], $0x2000  }
0x10c: {  	v0 =	vadd.f32 v1, v0;
	v1 =	vmul.f32 v2, v2;
	[sflag:s17] =	ssyncset.done $0x0;
	v2 =	vsub.f32 v17, v9  }
0x10d: {  	s23 =	simm.s32 $0x0;
	[sflag:s17] =	ssyncadd.s32 $0xFFFFE000  }
0x10e: {  	v0 =	vadd.f32 v1, v0;
	v5 =	vld [tilespmem:s23+$0x1C700];
	v1 =	vmul.f32 v2, v2;
	v2 =	vsub.f32 v18, v11  }
0x10f: {  	v6 =	vld [tilespmem:s23+$0x1C770]  }
0x110: {  	v7 =	vld [tilespmem:s23+$0x1C710];
	v0 =	vadd.f32 v1, v0;
	v1 =	vmul.f32 v2, v2;
	v2 =	vsub.f32 v19, v13  }
0x111: {  	v10 =	vld [tilespmem:s23+$0x1C720]  }
0x112: {  	v59 =	vld [tilespmem:s23+$0x1C730];
	v0 =	vadd.f32 v1, v0;
	v1 =	vmul.f32 v2, v2;
	v2 =	vsub.f32 v20, v15  }
0x113: {  	v60 =	vld [tilespmem:s23+$0x1C740]  }
0x114: {  	v61 =	vld [tilespmem:s23+$0x1A700];
	v0 =	vadd.f32 v1, v0;
	v1 =	vmul.f32 v2, v2;
	v2 =	vsub.f32 v21, v16  }
0x115: {  	v9 =	vld [tilespmem:s23+$0x1C760]  }
0x116: {  	v11 =	vld [tilespmem:s23+$0x1C750];
	v0 =	vadd.f32 v1, v0;
	v1 =	vmul.f32 v2, v2;
	v2 =	vsub.f32 v22, v14  }
0x117: {  	v5 =	vld.idx.msk [tilespmem:v5+s3+$0x0], $0xffff  }
0x118: {  	v7 =	vld.idx.msk [tilespmem:v7+s3+$0x0], $0xffff;
	v0 =	vadd.f32 v1, v0;
	v1 =	vmul.f32 v2, v2;
	v2 =	vsub.f32 v3, v12  }
0x119: {  	v3 =	vld [tilespmem:s23+$0x1A710]  }
0x11a: {  	v10 =	vld.idx.msk [tilespmem:v10+s3+$0x0], $0xffff;
	v0 =	vadd.f32 v1, v0;
	v1 =	vmul.f32 v2, v2;
	v2 =	vsub.f32 v4, v8  }
0x11b: {  	v4 =	vld [tilespmem:s23+$0x1A720]  }
0x11c: {  	v8 =	vld.idx.msk [tilespmem:v59+s3+$0x0], $0xffff;
	v0 =	vadd.f32 v1, v0;
	v1 =	vmul.f32 v2, v2;
	v2 =	vsub.f32 v61, v5  }
0x11d: {  	v5 =	vld [tilespmem:s23+$0x1A730]  }
0x11e: {  	v63 =	vld [tilespmem:s23+$0x1A740];
	v3 =	vsub.f32 v3, v7;
	v1 =	vadd.f32 v1, v0;
	v2 =	vmul.f32 v2, v2  }
0x11f: {  	v62 =	vld.idx.msk [tilespmem:v60+s3+$0x0], $0xffff  }
0x120: {  	v0 =	vld.idx.msk [tilespmem:v11+s3+$0x0], $0xffff;
	v7 =	vmul.f32 v3, v3;
	v4 =	vsub.f32 v4, v10;
	v2 =	vadd.f32 v2, v1  }
0x121: {  	v3 =	vld [tilespmem:s23+$0x1A750]  }
0x122: {  	v1 =	vld.idx.msk [tilespmem:v9+s3+$0x0], $0xffff;
	v9 =	vmul.f32 v4, v4;
	v5 =	vsub.f32 v5, v8;
	v7 =	vadd.f32 v7, v2  }
0x123: {  	v4 =	vld [tilespmem:s23+$0x1A760]  }
0x124: {  	v8 =	vsub.f32 v63, v62;
	v2 =	vld.idx.msk [tilespmem:v6+s3+$0x0], $0xffff;
	v6 =	vadd.f32 v9, v7;
	v7 =	vmul.f32 v5, v5  }
0x125: {  	s22 =	simm.s32 $0x400;
	s21 =	simm.s32 $0x80;
	v5 =	vld [tilespmem:s23+$0x1A770]  }
.LBB2_8:
0x126: {  	p0 =	sne.s32 s22, $0x7E00;
	v9 =	vld [tilespmem:s21+$0x1C700];
	v6 =	vadd.f32 v7, v6;
	v7 =	vmul.f32 v8, v8;
	v0 =	vsub.f32 v3, v0  }
0x127: {  	v10 =	vld [tilespmem:s21+$0x1C770]  }
0x128: {  	v3 =	vld [tilespmem:s21+$0x1C710];
	v6 =	vadd.f32 v7, v6;
	v0 =	vmul.f32 v0, v0;
	v1 =	vsub.f32 v4, v1  }
0x129: {  	v4 =	vld [tilespmem:s21+$0x1C760]  }
0x12a: {  	v7 =	vld [tilespmem:s21+$0x1C720];
	v0 =	vadd.f32 v0, v6;
	v1 =	vmul.f32 v1, v1;
	v2 =	vsub.f32 v5, v2  }
0x12b: {  	v5 =	vld [tilespmem:s21+$0x1C750]  }
0x12c: {  	v6 =	vld [tilespmem:s21+$0x1C730];
	v0 =	vadd.f32 v1, v0;
	v1 =	vmul.f32 v2, v2  }
0x12d: {  	v2 =	vld [tilespmem:s21+$0x1C740]  }
0x12e: {  	v8 =	vld.idx.msk [tilespmem:v9+s3+$0x0], $0xffff;
	v0 =	vadd.f32 v1, v0  }
0x12f: {  	v1 =	vld [tilespmem:s21+$0x1A700]  }
0x130: {  	v3 =	vld.idx.msk [tilespmem:v3+s3+$0x0], $0xffff  }
0x131: {  	v9 =	vld [tilespmem:s21+$0x1A710]  }
0x132: {  	v7 =	vld.idx.msk [tilespmem:v7+s3+$0x0], $0xffff  }
0x133: {  	v11 =	vld [tilespmem:s21+$0x1A720]  }
0x134: {  	v1 =	vsub.f32 v1, v8;
	v6 =	vld.idx.msk [tilespmem:v6+s3+$0x0], $0xffff  }
0x135: {  	v8 =	vld [tilespmem:s21+$0x1A730]  }
0x136: {  	v1 =	vmul.f32 v1, v1;
	v3 =	vsub.f32 v9, v3;
	v2 =	vld.idx.msk [tilespmem:v2+s3+$0x0], $0xffff  }
0x137: {  	v9 =	vld [tilespmem:s21+$0x1A740]  }
0x138: {  	v1 =	vadd.f32 v1, v0;
	v12 =	vmul.f32 v3, v3;
	v7 =	vsub.f32 v11, v7;
	v0 =	vld.idx.msk [tilespmem:v5+s3+$0x0], $0xffff  }
.Ltmp3:
0x139: {  	v3 =	vld [tilespmem:s21+$0x1A750];
	(pc) =	sbr.rel @p0 .LBB2_8-.Ltmp3, $4  }
0x13a: {  	v5 =	vadd.f32 v12, v1;
	v7 =	vmul.f32 v7, v7;
	v8 =	vsub.f32 v8, v6;
	v1 =	vld.idx.msk [tilespmem:v4+s3+$0x0], $0xffff  }
0x13b: {  	v4 =	vld [tilespmem:s21+$0x1A760]  }
0x13c: {  	v6 =	vadd.f32 v7, v5;
	v7 =	vmul.f32 v8, v8;
	v8 =	vsub.f32 v9, v2;
	v2 =	vld.idx.msk [tilespmem:v10+s3+$0x0], $0xffff  }
0x13d: {  	v5 =	vld [tilespmem:s21+$0x1A770];
	s21 =	sshra.s32 s22, $0x2;
	s22 =	sadd.s32 $0x200, s22  }
0x13e: {  	v9 =	vld [tilespmem:s21+$0x1C700]  }
0x13f: {  	v10 =	vld [tilespmem:s21+$0x1C770]  }
0x140: {  	v11 =	vld [tilespmem:s21+$0x1C710]  }
0x141: {  	v12 =	vld [tilespmem:s21+$0x1C760]  }
0x142: {  	v13 =	vld [tilespmem:s21+$0x1C720]  }
0x143: {  	v14 =	vld [tilespmem:s21+$0x1C750]  }
0x144: {  	v15 =	vld [tilespmem:s21+$0x1C730]  }
0x145: {  	v16 =	vld [tilespmem:s21+$0x1C740]  }
0x146: {  	v6 =	vadd.f32 v7, v6;
	v30 =	vmul.f32 v8, v8;
	v0 =	vsub.f32 v3, v0;
	v32 =	vld [tilespmem:s21+$0x1A700]  }
0x147: {  	v31 =	vld.idx.msk [tilespmem:v9+s3+$0x0], $0xffff  }
0x148: {  	v34 =	vld [tilespmem:s21+$0x1A710];
	v6 =	vadd.f32 v30, v6;
	v0 =	vmul.f32 v0, v0;
	v1 =	vsub.f32 v4, v1  }
0x149: {  	v33 =	vld.idx.msk [tilespmem:v11+s3+$0x0], $0xffff  }
0x14a: {  	v36 =	vld [tilespmem:s21+$0x1A720];
	v0 =	vadd.f32 v0, v6;
	v1 =	vmul.f32 v1, v1;
	v2 =	vsub.f32 v5, v2  }
0x14b: {  	v35 =	vld.idx.msk [tilespmem:v13+s3+$0x0], $0xffff  }
0x14c: {  	v40 =	vld [tilespmem:s21+$0x1A730];
	v0 =	vadd.f32 v1, v0;
	v37 =	vmul.f32 v2, v2;
	v38 =	vsub.f32 v32, v31  }
0x14d: {  	v39 =	vld.idx.msk [tilespmem:v15+s3+$0x0], $0xffff  }
0x14e: {  	v44 =	vld [tilespmem:s21+$0x1A740];
	v0 =	vadd.f32 v37, v0;
	v42 =	vsub.f32 v34, v33;
	v41 =	vmul.f32 v38, v38  }
0x14f: {  	v43 =	vld.idx.msk [tilespmem:v16+s3+$0x0], $0xffff  }
0x150: {  	v48 =	vld [tilespmem:s21+$0x1A750];
	v46 =	vsub.f32 v36, v35;
	v45 =	vmul.f32 v42, v42;
	v0 =	vadd.f32 v41, v0  }
0x151: {  	v47 =	vld.idx.msk [tilespmem:v14+s3+$0x0], $0xffff  }
0x152: {  	v52 =	vld [tilespmem:s21+$0x1A760];
	v50 =	vsub.f32 v40, v39;
	v49 =	vmul.f32 v46, v46;
	v0 =	vadd.f32 v45, v0  }
0x153: {  	v51 =	vld.idx.msk [tilespmem:v12+s3+$0x0], $0xffff  }
0x154: {  	v56 =	vld [tilespmem:s21+$0x1A770];
	v54 =	vsub.f32 v44, v43;
	v53 =	vmul.f32 v50, v50;
	v0 =	vadd.f32 v49, v0  }
0x155: {  	v55 =	vld.idx.msk [tilespmem:v10+s3+$0x0], $0xffff  }
0x156: {  	v58 =	vsub.f32 v48, v47;
	v57 =	vmul.f32 v54, v54;
	v0 =	vadd.f32 v53, v0;
	_ =	sdelay $0x1  }
0x157: {  	v60 =	vsub.f32 v52, v51;
	v59 =	vmul.f32 v58, v58;
	v0 =	vadd.f32 v57, v0;
	_ =	sdelay $0x1  }
0x158: {  	v62 =	vsub.f32 v56, v55;
	v61 =	vmul.f32 v60, v60;
	v0 =	vadd.f32 v59, v0;
	_ =	sdelay $0x1  }
0x159: {  	v63 =	vmul.f32 v62, v62;
	v0 =	vadd.f32 v61, v0;
	_ =	sdelay $0x1  }
0x15a: {  	s20 =	sadd.s32 $0x1, s20;
	v0 =	vadd.f32 v63, v0  }
0x15b: {  	p0 =	sne.s32 s20, s10  }
.Ltmp4:
0x15c: {  	[tilespmem:$0x1E700] =	vst v0;
	(pc) =	sbr.rel @p0 .LBB2_1-.Ltmp4, $4  }
0x15d: {  	[hbm4b:s9+s3] =	stream.linear.scatter [tilespmem:s18], [sflag:$0x4], $0x80, $0x38;
	[tilespmem:$0x1E780] =	vst v63  }
0x15e: {  	_ =	swait.ge [sflag:s19], $0x80  }
0x15f: {  	[sflag:s19] =	ssyncset.done $0x0  }
0x160: {  	[sflag:s19] =	ssyncadd.s32 $0xFFFFFF80  }
0x161: {  	_ =	sfence.sel $0x180000  }
0x162: {  	[bflag:$0x0] =	sbarrier.arrive $0xFFFF  }
0x163: {  	p0 =	sne.s32 s2, $0x0;
	_ =	strace $0x90000047  }
0x164: {  	s0 =	sadd.s32 @!p0 $0x100000, s0;
	[bflag:$0x2] =	sbarrier.arrive $0xFFFF  }
0x165: {  	[sflag:s0] =	ssyncadd.tile.s32 @!p0 $0x1;
	_ =	shalt  }
.Lfunc_end2:
_tile_overlayer_lowered:
.L_overlay_start_2:
0x166: {  	(tag) =	ssettag $0x2  }
0x167: {  	s0 =	rddreg [dreg:$0x0];
	s2 =	stileid.u32  }
0x168: {  	s1 =	rddreg [dreg:$0x1];
	p0 =	sne.s32 s2, $0x0  }
0x169: {  	s3 =	rddreg [dreg:$0x2];
	[bflag:$0x3] =	sbarrier.arrive $0xFFFF;
	s2 =	simm.s32 @!p0 $0x1C04  }
0x16a: {  	[timem:s3], [sflag:s2] =	dma.local @!p0 [hbm:s0], s1  }
0x16b: {  	s0 =	simm.s32 @!p0 $0x4  }
0x16c: {  	_ =	swait.ge @!p0 [sflag:s0], s1  }
0x16d: {  	s1 =	ssub.s32 @!p0 $0x0, s1;
	[sflag:s0] =	ssyncset.done @!p0 $0x0  }
0x16e: {  	[sflag:s0] =	ssyncadd.s32 @!p0 s1  }
0x16f: {  	[bflag:$0x3] =	sbarrier.arrive $0xFFFF  }
0x170: {  	_ =	shalt  }

</sc_bundles>
